<compile_context>
chip_gen: v7x
topology: tpu7x:2x2x1
jax: 0.10.2.dev20260603
libtpu: 0.0.44.dev20260713+nightly
codegen_flags: <defaults>
</compile_context>

<pallas_src>
import functools

import jax
import jax.numpy as jnp
from jax import lax
from jax.experimental import pallas as pl
from jax.experimental.pallas import tpu as pltpu
from jax.experimental.pallas import tpu_sc as plsc


_RCHUNK = 1
_NBUF = 8


@functools.lru_cache(maxsize=None)
def _build_gather(batch: int, max_len: int, emb: int, rchunk: int, nbuf: int):
    info = plsc.get_sparse_core_info()
    nw = info.num_cores * info.num_subcores
    assert batch % (nw * rchunk * nbuf) == 0
    rows_per_w = batch // nw
    n_chunks = rows_per_w // rchunk
    n_groups = n_chunks // nbuf
    lag = nbuf - 1
    mesh = plsc.VectorSubcoreMesh(core_axis_name="c", subcore_axis_name="s")

    @functools.partial(
        pl.kernel,
        mesh=mesh,
        out_type=jax.ShapeDtypeStruct((batch, max_len, 128), jnp.float32),
        scratch_types=(
            [pltpu.VMEM((rchunk, max_len), jnp.int32) for _ in range(nbuf)]
            + [pltpu.VMEM((rchunk, max_len, emb), jnp.float32)
               for _ in range(nbuf)]
            + [pltpu.SemaphoreType.DMA for _ in range(2 * nbuf)]
        ),
        compiler_params=pltpu.CompilerParams(use_tc_tiling_on_sc=False),
    )
    def gather(table_hbm, idx_hbm, out_hbm, *bufs):
        idx_v = bufs[:nbuf]
        rows_v = bufs[nbuf:2 * nbuf]
        sem_g = bufs[2 * nbuf:3 * nbuf]
        sem_s = bufs[3 * nbuf:4 * nbuf]
        wid = lax.axis_index("s") * info.num_cores + lax.axis_index("c")
        wbase = wid * rows_per_w

        def idx_fetch(c, b):
            pltpu.sync_copy(idx_hbm.at[pl.ds(wbase + c * rchunk, rchunk)],
                            idx_v[b])

        def gather_start(b):
            for r in range(rchunk):
                pltpu.async_copy(table_hbm.at[idx_v[b].at[r]],
                                 rows_v[b].at[r], sem_g[b])

        def gather_wait(b):
            for r in range(rchunk):
                pltpu.make_async_copy(table_hbm.at[idx_v[b].at[r]],
                                      rows_v[b].at[r], sem_g[b]).wait()

        def store_start(c, b):
            pltpu.async_copy(
                rows_v[b],
                out_hbm.at[pl.ds(wbase + c * rchunk, rchunk), :, pl.ds(0, emb)],
                sem_s[b])

        def store_wait(c, b):
            pltpu.make_async_copy(
                rows_v[b],
                out_hbm.at[pl.ds(wbase + c * rchunk, rchunk), :, pl.ds(0, emb)],
                sem_s[b]).wait()

        idx_fetch(0, 0)

        def group(g, carry):
            for b in range(nbuf):
                c = g * nbuf + b
                pl.when(c >= nbuf)(lambda: store_wait(c - nbuf, b))
                gather_start(b)
                d = (b + 1) % nbuf
                pl.when(c >= lag)(lambda: gather_wait(d))
                pl.when(c + 1 < n_chunks)(lambda: idx_fetch(c + 1, d))
                pl.when(c >= lag)(lambda: store_start(c - lag, d))
            return carry

        lax.fori_loop(0, n_groups, group, 0)

        for j in range(n_chunks - lag, n_chunks):
            b = j % nbuf
            gather_wait(b)
            store_start(j, b)
        for j in range(n_chunks - nbuf, n_chunks):
            store_wait(j, j % nbuf)

    return gather


def kernel(tokens, table):
    batch, max_len = tokens.shape
    emb = table.shape[1]
    out_p = _build_gather(batch, max_len, emb, _RCHUNK, _NBUF)(table, tokens)
    return out_p[:, :, :emb]

# --- scband reference (transcript-rebuilt; emitter-appended) ---
"""Pipeline reference for scband-sequence-encoder-71846212927803 (READ-ONLY COPY).

The authoritative reference and input builder live on the scoring server;
editing this copy changes nothing except your own understanding.
"""

import jax, jax.numpy as jnp
import numpy as np

NUM_TOKENS = 1000002  # vocab 1,000,000 + 2 special tokens (pad, sep)
N_EMBD = 64
BATCH = 4096
MAX_LEN = 200


def setup_inputs(seed: int = 0) -> dict:
    key = jax.random.key(seed)
    k1, k2 = jax.random.split(key)
    # tokens: the integer token ids produced by SequenceEncoder.embed's tokenizer
    # (pad/sep + vocabulary-mapped ids), stacked over the batch as in forward().
    tokens = jax.random.randint(k1, (BATCH, MAX_LEN), 0, NUM_TOKENS, dtype=jnp.int32)
    # learned embedding table (nn.Embedding(count, n_embd) weight)
    table = jax.random.normal(k2, (NUM_TOKENS, N_EMBD), dtype=jnp.float32)
    return {"tokens": tokens, "table": table}


def reference(tokens, table):
    # SequenceEncoder.forward: for each sequence in the batch, tokenize to
    # fixed length max_len, then self.embedding(tokens); stack over batch.
    # The numerical computation is a row-gather from the embedding table.
    return jnp.take(table, tokens, axis=0)

if __name__ == "__main__":
    import jax
    _d = setup_inputs()
    print(jax.jit(kernel)(*tuple(_d.values())))

</pallas_src>

<mosaic_0001>
#map = affine_map<(d0, d1) -> (0, 0)>
#map1 = affine_map<(d0, d1) -> (0, 0, 0)>
module attributes {stable_mosaic.version = 14 : i64} {
  func.func @gather(%arg0: i32, %arg1: i32, %arg2: memref<1000002x64xf32, #tpu.memory_space<hbm>>, %arg3: memref<4096x200xi32, #tpu.memory_space<hbm>>, %arg4: memref<4096x200x128xf32, #tpu.memory_space<hbm>>, %arg5: memref<1x200xi32, #tpu.memory_space<vmem>>, %arg6: memref<1x200xi32, #tpu.memory_space<vmem>>, %arg7: memref<1x200xi32, #tpu.memory_space<vmem>>, %arg8: memref<1x200xi32, #tpu.memory_space<vmem>>, %arg9: memref<1x200xi32, #tpu.memory_space<vmem>>, %arg10: memref<1x200xi32, #tpu.memory_space<vmem>>, %arg11: memref<1x200xi32, #tpu.memory_space<vmem>>, %arg12: memref<1x200xi32, #tpu.memory_space<vmem>>, %arg13: memref<1x200x64xf32, #tpu.memory_space<vmem>>, %arg14: memref<1x200x64xf32, #tpu.memory_space<vmem>>, %arg15: memref<1x200x64xf32, #tpu.memory_space<vmem>>, %arg16: memref<1x200x64xf32, #tpu.memory_space<vmem>>, %arg17: memref<1x200x64xf32, #tpu.memory_space<vmem>>, %arg18: memref<1x200x64xf32, #tpu.memory_space<vmem>>, %arg19: memref<1x200x64xf32, #tpu.memory_space<vmem>>, %arg20: memref<1x200x64xf32, #tpu.memory_space<vmem>>, %arg21: memref<!tpu.dma_semaphore, #tpu.memory_space<semaphore_mem>>, %arg22: memref<!tpu.dma_semaphore, #tpu.memory_space<semaphore_mem>>, %arg23: memref<!tpu.dma_semaphore, #tpu.memory_space<semaphore_mem>>, %arg24: memref<!tpu.dma_semaphore, #tpu.memory_space<semaphore_mem>>, %arg25: memref<!tpu.dma_semaphore, #tpu.memory_space<semaphore_mem>>, %arg26: memref<!tpu.dma_semaphore, #tpu.memory_space<semaphore_mem>>, %arg27: memref<!tpu.dma_semaphore, #tpu.memory_space<semaphore_mem>>, %arg28: memref<!tpu.dma_semaphore, #tpu.memory_space<semaphore_mem>>, %arg29: memref<!tpu.dma_semaphore, #tpu.memory_space<semaphore_mem>>, %arg30: memref<!tpu.dma_semaphore, #tpu.memory_space<semaphore_mem>>, %arg31: memref<!tpu.dma_semaphore, #tpu.memory_space<semaphore_mem>>, %arg32: memref<!tpu.dma_semaphore, #tpu.memory_space<semaphore_mem>>, %arg33: memref<!tpu.dma_semaphore, #tpu.memory_space<semaphore_mem>>, %arg34: memref<!tpu.dma_semaphore, #tpu.memory_space<semaphore_mem>>, %arg35: memref<!tpu.dma_semaphore, #tpu.memory_space<semaphore_mem>>, %arg36: memref<!tpu.dma_semaphore, #tpu.memory_space<semaphore_mem>>) attributes {dimension_semantics = [#tpu.dimension_semantics<core_parallel>, #tpu.dimension_semantics<subcore_parallel>], iteration_bounds = array<i64: 2, 16>, scalar_prefetch = 0 : i64, scratch_operands = 32 : i64, tpu.core_type = #tpu.core_type<sc_vector_subcore>, window_params = [{transform_indices = #map}, {transform_indices = #map}, {transform_indices = #map1}]} {
    %mul3A = arith.constant 2 : i32
    %mul3A_0 = arith.muli %arg1, %mul3A : i32
    %add3A = arith.addi %mul3A_0, %arg0 : i32
    %mul3A_1 = arith.constant 128 : i32
    %mul3A_2 = arith.muli %add3A, %mul3A_1 : i32
    %add3A_3 = arith.constant 0 : i32
    %add3A_4 = arith.addi %mul3A_2, %add3A_3 : i32
    "tpu.region"() ({
      %run_scoped3A = tpu.sem_alloc : memref<!tpu.dma_semaphore, #tpu.memory_space<semaphore_mem>>
      %dma_start3A_212 = arith.constant 0 : i32
      %dma_start3A_213 = tpu.memref_slice %arg3[%add3A_4, %dma_start3A_212] : memref<4096x200xi32, #tpu.memory_space<hbm>> -> memref<1x200xi32, #tpu.memory_space<hbm>>
      %dma_start3A_214 = arith.constant 0 : i32
      %dma_start3A_215 = tpu.memref_slice %arg3[%add3A_4, %dma_start3A_214] : memref<4096x200xi32, #tpu.memory_space<hbm>> -> memref<1x200xi32, #tpu.memory_space<hbm>>
      tpu.enqueue_dma source(%dma_start3A_215 : memref<1x200xi32, #tpu.memory_space<hbm>>) target(%arg5 : memref<1x200xi32, #tpu.memory_space<vmem>>) target_semaphore(%run_scoped3A : memref<!tpu.dma_semaphore, #tpu.memory_space<semaphore_mem>>)
      %dma_wait3A_216 = arith.constant 0 : i32
      %dma_wait3A_217 = tpu.memref_slice %arg3[%add3A_4, %dma_wait3A_216] : memref<4096x200xi32, #tpu.memory_space<hbm>> -> memref<1x200xi32, #tpu.memory_space<hbm>>
      %dma_wait3A_218 = arith.constant 0 : i32
      %dma_wait3A_219 = tpu.memref_slice %arg3[%add3A_4, %dma_wait3A_218] : memref<4096x200xi32, #tpu.memory_space<hbm>> -> memref<1x200xi32, #tpu.memory_space<hbm>>
      tpu.wait_dma2 semaphore(%run_scoped3A : memref<!tpu.dma_semaphore, #tpu.memory_space<semaphore_mem>>) src(%dma_wait3A_219 : memref<1x200xi32, #tpu.memory_space<hbm>>) dst(%arg5 : memref<1x200xi32, #tpu.memory_space<vmem>>)
      tpu.yield
    }) : () -> ()
    %scan3A = arith.constant 0 : i32
    %scan3A_5 = arith.constant 0 : i32
    %scan3A_6 = arith.constant 16 : i32
    %scan3A_7 = arith.addi %scan3A_5, %scan3A_6 : i32
    %scan3A_8 = arith.constant 1 : i32
    scf.for %scan3A_212 = %scan3A_5 to %scan3A_7 step %scan3A_8  : i32 {
      %mul3A_213 = arith.constant 8 : i32
      %mul3A_214 = arith.muli %scan3A_212, %mul3A_213 : i32
      %add3A_215 = arith.constant 0 : i32
      %add3A_216 = arith.addi %mul3A_214, %add3A_215 : i32
      %ge3A = arith.constant 8 : i32
      %ge3A_217 = arith.cmpi sge, %add3A_216, %ge3A : i32
      %convert_element_type3A = arith.extui %ge3A_217 : i1 to i32
      %cond3A = arith.constant 0 : i32
      %cond3A_218 = arith.cmpi ne, %convert_element_type3A, %cond3A : i32
      scf.if %cond3A_218 {
        %sub3A = arith.constant 8 : i32
        %sub3A_513 = arith.subi %add3A_216, %sub3A : i32
        %mul3A_514 = arith.constant 1 : i32
        %mul3A_515 = arith.muli %sub3A_513, %mul3A_514 : i32
        %add3A_516 = arith.addi %mul3A_2, %mul3A_515 : i32
        %dma_wait3A_517 = arith.constant 0 : i32
        %dma_wait3A_518 = arith.constant 0 : i32
        %dma_wait3A_519 = tpu.memref_slice %arg4[%add3A_516, %dma_wait3A_517, %dma_wait3A_518] : memref<4096x200x128xf32, #tpu.memory_space<hbm>> -> memref<1x200x64xf32, #tpu.memory_space<hbm>>
        %dma_wait3A_520 = arith.constant 0 : i32
        %dma_wait3A_521 = arith.constant 0 : i32
        %dma_wait3A_522 = tpu.memref_slice %arg4[%add3A_516, %dma_wait3A_520, %dma_wait3A_521] : memref<4096x200x128xf32, #tpu.memory_space<hbm>> -> memref<1x200x64xf32, #tpu.memory_space<hbm>>
        tpu.wait_dma2 semaphore(%arg29 : memref<!tpu.dma_semaphore, #tpu.memory_space<semaphore_mem>>) src(%arg13 : memref<1x200x64xf32, #tpu.memory_space<vmem>>) dst(%dma_wait3A_522 : memref<1x200x64xf32, #tpu.memory_space<hbm>>)
      } else {
      }
      %dma_start3A_219 = arith.constant 0 : i32
      %dma_start3A_220 = arith.constant 0 : i32
      %dma_start3A_221 = arith.constant 0 : i32
      %dma_start3A_222 = arith.constant 0 : i32
      %dma_start3A_223 = tpu.memref_slice %arg13[%dma_start3A_220, %dma_start3A_221, %dma_start3A_222] : memref<1x200x64xf32, #tpu.memory_space<vmem>> -> memref<1x200x64xf32, #tpu.memory_space<vmem>>
      %dma_start3A_224 = tpu.memref_squeeze %dma_start3A_223 : memref<1x200x64xf32, #tpu.memory_space<vmem>> -> memref<200x64xf32, #tpu.memory_space<vmem>>
      %dma_start3A_225 = arith.constant 0 : i32
      %dma_start3A_226 = tpu.memref_slice %arg5[%dma_start3A_219, %dma_start3A_225] : memref<1x200xi32, #tpu.memory_space<vmem>> -> memref<1x200xi32, #tpu.memory_space<vmem>>
      %dma_start3A_227 = tpu.memref_squeeze %dma_start3A_226 : memref<1x200xi32, #tpu.memory_space<vmem>> -> memref<200xi32, #tpu.memory_space<vmem>>
      %dma_start3A_228 = arith.constant 0 : i32
      %dma_start3A_229 = arith.constant 0 : i32
      %dma_start3A_230 = tpu.memref_slice %arg2[%dma_start3A_228, %dma_start3A_229] : memref<1000002x64xf32, #tpu.memory_space<hbm>> -> memref<1000002x64xf32, #tpu.memory_space<hbm>>
      tpu.enqueue_indirect_dma source(%dma_start3A_230 : memref<1000002x64xf32, #tpu.memory_space<hbm>>) target(%dma_start3A_224 : memref<200x64xf32, #tpu.memory_space<vmem>>) offsets(%dma_start3A_227 : memref<200xi32, #tpu.memory_space<vmem>>) semaphore(%arg21 : memref<!tpu.dma_semaphore, #tpu.memory_space<semaphore_mem>>)
      %ge3A_231 = arith.constant 7 : i32
      %ge3A_232 = arith.cmpi sge, %add3A_216, %ge3A_231 : i32
      %convert_element_type3A_233 = arith.extui %ge3A_232 : i1 to i32
      %cond3A_234 = arith.constant 0 : i32
      %cond3A_235 = arith.cmpi ne, %convert_element_type3A_233, %cond3A_234 : i32
      scf.if %cond3A_235 {
        %dma_wait3A_513 = arith.constant 0 : i32
        %dma_wait3A_514 = arith.constant 0 : i32
        %dma_wait3A_515 = arith.constant 0 : i32
        %dma_wait3A_516 = arith.constant 0 : i32
        %dma_wait3A_517 = tpu.memref_slice %arg14[%dma_wait3A_514, %dma_wait3A_515, %dma_wait3A_516] : memref<1x200x64xf32, #tpu.memory_space<vmem>> -> memref<1x200x64xf32, #tpu.memory_space<vmem>>
        %dma_wait3A_518 = tpu.memref_squeeze %dma_wait3A_517 : memref<1x200x64xf32, #tpu.memory_space<vmem>> -> memref<200x64xf32, #tpu.memory_space<vmem>>
        %dma_wait3A_519 = arith.constant 0 : i32
        %dma_wait3A_520 = tpu.memref_slice %arg6[%dma_wait3A_513, %dma_wait3A_519] : memref<1x200xi32, #tpu.memory_space<vmem>> -> memref<1x200xi32, #tpu.memory_space<vmem>>
        %dma_wait3A_521 = tpu.memref_squeeze %dma_wait3A_520 : memref<1x200xi32, #tpu.memory_space<vmem>> -> memref<200xi32, #tpu.memory_space<vmem>>
        %dma_wait3A_522 = arith.constant 0 : i32
        %dma_wait3A_523 = arith.constant 0 : i32
        %dma_wait3A_524 = tpu.memref_slice %arg2[%dma_wait3A_522, %dma_wait3A_523] : memref<1000002x64xf32, #tpu.memory_space<hbm>> -> memref<1000002x64xf32, #tpu.memory_space<hbm>>
        tpu.wait_indirect_dma semaphore(%arg22 : memref<!tpu.dma_semaphore, #tpu.memory_space<semaphore_mem>>) src(%dma_wait3A_524 : memref<1000002x64xf32, #tpu.memory_space<hbm>>) dst(%dma_wait3A_518 : memref<200x64xf32, #tpu.memory_space<vmem>>)
      } else {
      }
      %add3A_236 = arith.constant 1 : i32
      %add3A_237 = arith.addi %add3A_216, %add3A_236 : i32
      %lt3A = arith.constant 128 : i32
      %lt3A_238 = arith.cmpi slt, %add3A_237, %lt3A : i32
      %convert_element_type3A_239 = arith.extui %lt3A_238 : i1 to i32
      %cond3A_240 = arith.constant 0 : i32
      %cond3A_241 = arith.cmpi ne, %convert_element_type3A_239, %cond3A_240 : i32
      scf.if %cond3A_241 {
        %add3A_513 = arith.constant 1 : i32
        %add3A_514 = arith.addi %add3A_216, %add3A_513 : i32
        %mul3A_515 = arith.constant 1 : i32
        %mul3A_516 = arith.muli %add3A_514, %mul3A_515 : i32
        %add3A_517 = arith.addi %mul3A_2, %mul3A_516 : i32
        "tpu.region"() ({
          %run_scoped3A = tpu.sem_alloc : memref<!tpu.dma_semaphore, #tpu.memory_space<semaphore_mem>>
          %dma_start3A_518 = arith.constant 0 : i32
          %dma_start3A_519 = tpu.memref_slice %arg3[%add3A_517, %dma_start3A_518] : memref<4096x200xi32, #tpu.memory_space<hbm>> -> memref<1x200xi32, #tpu.memory_space<hbm>>
          %dma_start3A_520 = arith.constant 0 : i32
          %dma_start3A_521 = tpu.memref_slice %arg3[%add3A_517, %dma_start3A_520] : memref<4096x200xi32, #tpu.memory_space<hbm>> -> memref<1x200xi32, #tpu.memory_space<hbm>>
          tpu.enqueue_dma source(%dma_start3A_521 : memref<1x200xi32, #tpu.memory_space<hbm>>) target(%arg6 : memref<1x200xi32, #tpu.memory_space<vmem>>) target_semaphore(%run_scoped3A : memref<!tpu.dma_semaphore, #tpu.memory_space<semaphore_mem>>)
          %dma_wait3A_522 = arith.constant 0 : i32
          %dma_wait3A_523 = tpu.memref_slice %arg3[%add3A_517, %dma_wait3A_522] : memref<4096x200xi32, #tpu.memory_space<hbm>> -> memref<1x200xi32, #tpu.memory_space<hbm>>
          %dma_wait3A_524 = arith.constant 0 : i32
          %dma_wait3A_525 = tpu.memref_slice %arg3[%add3A_517, %dma_wait3A_524] : memref<4096x200xi32, #tpu.memory_space<hbm>> -> memref<1x200xi32, #tpu.memory_space<hbm>>
          tpu.wait_dma2 semaphore(%run_scoped3A : memref<!tpu.dma_semaphore, #tpu.memory_space<semaphore_mem>>) src(%dma_wait3A_525 : memref<1x200xi32, #tpu.memory_space<hbm>>) dst(%arg6 : memref<1x200xi32, #tpu.memory_space<vmem>>)
          tpu.yield
        }) : () -> ()
      } else {
      }
      %ge3A_242 = arith.constant 7 : i32
      %ge3A_243 = arith.cmpi sge, %add3A_216, %ge3A_242 : i32
      %convert_element_type3A_244 = arith.extui %ge3A_243 : i1 to i32
      %cond3A_245 = arith.constant 0 : i32
      %cond3A_246 = arith.cmpi ne, %convert_element_type3A_244, %cond3A_245 : i32
      scf.if %cond3A_246 {
        %sub3A = arith.constant 7 : i32
        %sub3A_513 = arith.subi %add3A_216, %sub3A : i32
        %mul3A_514 = arith.constant 1 : i32
        %mul3A_515 = arith.muli %sub3A_513, %mul3A_514 : i32
        %add3A_516 = arith.addi %mul3A_2, %mul3A_515 : i32
        %dma_start3A_517 = arith.constant 0 : i32
        %dma_start3A_518 = arith.constant 0 : i32
        %dma_start3A_519 = tpu.memref_slice %arg4[%add3A_516, %dma_start3A_517, %dma_start3A_518] : memref<4096x200x128xf32, #tpu.memory_space<hbm>> -> memref<1x200x64xf32, #tpu.memory_space<hbm>>
        %dma_start3A_520 = arith.constant 0 : i32
        %dma_start3A_521 = arith.constant 0 : i32
        %dma_start3A_522 = tpu.memref_slice %arg4[%add3A_516, %dma_start3A_520, %dma_start3A_521] : memref<4096x200x128xf32, #tpu.memory_space<hbm>> -> memref<1x200x64xf32, #tpu.memory_space<hbm>>
        tpu.enqueue_dma source(%arg14 : memref<1x200x64xf32, #tpu.memory_space<vmem>>) target(%dma_start3A_522 : memref<1x200x64xf32, #tpu.memory_space<hbm>>) target_semaphore(%arg30 : memref<!tpu.dma_semaphore, #tpu.memory_space<semaphore_mem>>)
      } else {
      }
      %mul3A_247 = arith.constant 8 : i32
      %mul3A_248 = arith.muli %scan3A_212, %mul3A_247 : i32
      %add3A_249 = arith.constant 1 : i32
      %add3A_250 = arith.addi %mul3A_248, %add3A_249 : i32
      %ge3A_251 = arith.constant 8 : i32
      %ge3A_252 = arith.cmpi sge, %add3A_250, %ge3A_251 : i32
      %convert_element_type3A_253 = arith.extui %ge3A_252 : i1 to i32
      %cond3A_254 = arith.constant 0 : i32
      %cond3A_255 = arith.cmpi ne, %convert_element_type3A_253, %cond3A_254 : i32
      scf.if %cond3A_255 {
        %sub3A = arith.constant 8 : i32
        %sub3A_513 = arith.subi %add3A_250, %sub3A : i32
        %mul3A_514 = arith.constant 1 : i32
        %mul3A_515 = arith.muli %sub3A_513, %mul3A_514 : i32
        %add3A_516 = arith.addi %mul3A_2, %mul3A_515 : i32
        %dma_wait3A_517 = arith.constant 0 : i32
        %dma_wait3A_518 = arith.constant 0 : i32
        %dma_wait3A_519 = tpu.memref_slice %arg4[%add3A_516, %dma_wait3A_517, %dma_wait3A_518] : memref<4096x200x128xf32, #tpu.memory_space<hbm>> -> memref<1x200x64xf32, #tpu.memory_space<hbm>>
        %dma_wait3A_520 = arith.constant 0 : i32
        %dma_wait3A_521 = arith.constant 0 : i32
        %dma_wait3A_522 = tpu.memref_slice %arg4[%add3A_516, %dma_wait3A_520, %dma_wait3A_521] : memref<4096x200x128xf32, #tpu.memory_space<hbm>> -> memref<1x200x64xf32, #tpu.memory_space<hbm>>
        tpu.wait_dma2 semaphore(%arg30 : memref<!tpu.dma_semaphore, #tpu.memory_space<semaphore_mem>>) src(%arg14 : memref<1x200x64xf32, #tpu.memory_space<vmem>>) dst(%dma_wait3A_522 : memref<1x200x64xf32, #tpu.memory_space<hbm>>)
      } else {
      }
      %dma_start3A_256 = arith.constant 0 : i32
      %dma_start3A_257 = arith.constant 0 : i32
      %dma_start3A_258 = arith.constant 0 : i32
      %dma_start3A_259 = arith.constant 0 : i32
      %dma_start3A_260 = tpu.memref_slice %arg14[%dma_start3A_257, %dma_start3A_258, %dma_start3A_259] : memref<1x200x64xf32, #tpu.memory_space<vmem>> -> memref<1x200x64xf32, #tpu.memory_space<vmem>>
      %dma_start3A_261 = tpu.memref_squeeze %dma_start3A_260 : memref<1x200x64xf32, #tpu.memory_space<vmem>> -> memref<200x64xf32, #tpu.memory_space<vmem>>
      %dma_start3A_262 = arith.constant 0 : i32
      %dma_start3A_263 = tpu.memref_slice %arg6[%dma_start3A_256, %dma_start3A_262] : memref<1x200xi32, #tpu.memory_space<vmem>> -> memref<1x200xi32, #tpu.memory_space<vmem>>
      %dma_start3A_264 = tpu.memref_squeeze %dma_start3A_263 : memref<1x200xi32, #tpu.memory_space<vmem>> -> memref<200xi32, #tpu.memory_space<vmem>>
      %dma_start3A_265 = arith.constant 0 : i32
      %dma_start3A_266 = arith.constant 0 : i32
      %dma_start3A_267 = tpu.memref_slice %arg2[%dma_start3A_265, %dma_start3A_266] : memref<1000002x64xf32, #tpu.memory_space<hbm>> -> memref<1000002x64xf32, #tpu.memory_space<hbm>>
      tpu.enqueue_indirect_dma source(%dma_start3A_267 : memref<1000002x64xf32, #tpu.memory_space<hbm>>) target(%dma_start3A_261 : memref<200x64xf32, #tpu.memory_space<vmem>>) offsets(%dma_start3A_264 : memref<200xi32, #tpu.memory_space<vmem>>) semaphore(%arg22 : memref<!tpu.dma_semaphore, #tpu.memory_space<semaphore_mem>>)
      %ge3A_268 = arith.constant 7 : i32
      %ge3A_269 = arith.cmpi sge, %add3A_250, %ge3A_268 : i32
      %convert_element_type3A_270 = arith.extui %ge3A_269 : i1 to i32
      %cond3A_271 = arith.constant 0 : i32
      %cond3A_272 = arith.cmpi ne, %convert_element_type3A_270, %cond3A_271 : i32
      scf.if %cond3A_272 {
        %dma_wait3A_513 = arith.constant 0 : i32
        %dma_wait3A_514 = arith.constant 0 : i32
        %dma_wait3A_515 = arith.constant 0 : i32
        %dma_wait3A_516 = arith.constant 0 : i32
        %dma_wait3A_517 = tpu.memref_slice %arg15[%dma_wait3A_514, %dma_wait3A_515, %dma_wait3A_516] : memref<1x200x64xf32, #tpu.memory_space<vmem>> -> memref<1x200x64xf32, #tpu.memory_space<vmem>>
        %dma_wait3A_518 = tpu.memref_squeeze %dma_wait3A_517 : memref<1x200x64xf32, #tpu.memory_space<vmem>> -> memref<200x64xf32, #tpu.memory_space<vmem>>
        %dma_wait3A_519 = arith.constant 0 : i32
        %dma_wait3A_520 = tpu.memref_slice %arg7[%dma_wait3A_513, %dma_wait3A_519] : memref<1x200xi32, #tpu.memory_space<vmem>> -> memref<1x200xi32, #tpu.memory_space<vmem>>
        %dma_wait3A_521 = tpu.memref_squeeze %dma_wait3A_520 : memref<1x200xi32, #tpu.memory_space<vmem>> -> memref<200xi32, #tpu.memory_space<vmem>>
        %dma_wait3A_522 = arith.constant 0 : i32
        %dma_wait3A_523 = arith.constant 0 : i32
        %dma_wait3A_524 = tpu.memref_slice %arg2[%dma_wait3A_522, %dma_wait3A_523] : memref<1000002x64xf32, #tpu.memory_space<hbm>> -> memref<1000002x64xf32, #tpu.memory_space<hbm>>
        tpu.wait_indirect_dma semaphore(%arg23 : memref<!tpu.dma_semaphore, #tpu.memory_space<semaphore_mem>>) src(%dma_wait3A_524 : memref<1000002x64xf32, #tpu.memory_space<hbm>>) dst(%dma_wait3A_518 : memref<200x64xf32, #tpu.memory_space<vmem>>)
      } else {
      }
      %add3A_273 = arith.constant 1 : i32
      %add3A_274 = arith.addi %add3A_250, %add3A_273 : i32
      %lt3A_275 = arith.constant 128 : i32
      %lt3A_276 = arith.cmpi slt, %add3A_274, %lt3A_275 : i32
      %convert_element_type3A_277 = arith.extui %lt3A_276 : i1 to i32
      %cond3A_278 = arith.constant 0 : i32
      %cond3A_279 = arith.cmpi ne, %convert_element_type3A_277, %cond3A_278 : i32
      scf.if %cond3A_279 {
        %add3A_513 = arith.constant 1 : i32
        %add3A_514 = arith.addi %add3A_250, %add3A_513 : i32
        %mul3A_515 = arith.constant 1 : i32
        %mul3A_516 = arith.muli %add3A_514, %mul3A_515 : i32
        %add3A_517 = arith.addi %mul3A_2, %mul3A_516 : i32
        "tpu.region"() ({
          %run_scoped3A = tpu.sem_alloc : memref<!tpu.dma_semaphore, #tpu.memory_space<semaphore_mem>>
          %dma_start3A_518 = arith.constant 0 : i32
          %dma_start3A_519 = tpu.memref_slice %arg3[%add3A_517, %dma_start3A_518] : memref<4096x200xi32, #tpu.memory_space<hbm>> -> memref<1x200xi32, #tpu.memory_space<hbm>>
          %dma_start3A_520 = arith.constant 0 : i32
          %dma_start3A_521 = tpu.memref_slice %arg3[%add3A_517, %dma_start3A_520] : memref<4096x200xi32, #tpu.memory_space<hbm>> -> memref<1x200xi32, #tpu.memory_space<hbm>>
          tpu.enqueue_dma source(%dma_start3A_521 : memref<1x200xi32, #tpu.memory_space<hbm>>) target(%arg7 : memref<1x200xi32, #tpu.memory_space<vmem>>) target_semaphore(%run_scoped3A : memref<!tpu.dma_semaphore, #tpu.memory_space<semaphore_mem>>)
          %dma_wait3A_522 = arith.constant 0 : i32
          %dma_wait3A_523 = tpu.memref_slice %arg3[%add3A_517, %dma_wait3A_522] : memref<4096x200xi32, #tpu.memory_space<hbm>> -> memref<1x200xi32, #tpu.memory_space<hbm>>
          %dma_wait3A_524 = arith.constant 0 : i32
          %dma_wait3A_525 = tpu.memref_slice %arg3[%add3A_517, %dma_wait3A_524] : memref<4096x200xi32, #tpu.memory_space<hbm>> -> memref<1x200xi32, #tpu.memory_space<hbm>>
          tpu.wait_dma2 semaphore(%run_scoped3A : memref<!tpu.dma_semaphore, #tpu.memory_space<semaphore_mem>>) src(%dma_wait3A_525 : memref<1x200xi32, #tpu.memory_space<hbm>>) dst(%arg7 : memref<1x200xi32, #tpu.memory_space<vmem>>)
          tpu.yield
        }) : () -> ()
      } else {
      }
      %ge3A_280 = arith.constant 7 : i32
      %ge3A_281 = arith.cmpi sge, %add3A_250, %ge3A_280 : i32
      %convert_element_type3A_282 = arith.extui %ge3A_281 : i1 to i32
      %cond3A_283 = arith.constant 0 : i32
      %cond3A_284 = arith.cmpi ne, %convert_element_type3A_282, %cond3A_283 : i32
      scf.if %cond3A_284 {
        %sub3A = arith.constant 7 : i32
        %sub3A_513 = arith.subi %add3A_250, %sub3A : i32
        %mul3A_514 = arith.constant 1 : i32
        %mul3A_515 = arith.muli %sub3A_513, %mul3A_514 : i32
        %add3A_516 = arith.addi %mul3A_2, %mul3A_515 : i32
        %dma_start3A_517 = arith.constant 0 : i32
        %dma_start3A_518 = arith.constant 0 : i32
        %dma_start3A_519 = tpu.memref_slice %arg4[%add3A_516, %dma_start3A_517, %dma_start3A_518] : memref<4096x200x128xf32, #tpu.memory_space<hbm>> -> memref<1x200x64xf32, #tpu.memory_space<hbm>>
        %dma_start3A_520 = arith.constant 0 : i32
        %dma_start3A_521 = arith.constant 0 : i32
        %dma_start3A_522 = tpu.memref_slice %arg4[%add3A_516, %dma_start3A_520, %dma_start3A_521] : memref<4096x200x128xf32, #tpu.memory_space<hbm>> -> memref<1x200x64xf32, #tpu.memory_space<hbm>>
        tpu.enqueue_dma source(%arg15 : memref<1x200x64xf32, #tpu.memory_space<vmem>>) target(%dma_start3A_522 : memref<1x200x64xf32, #tpu.memory_space<hbm>>) target_semaphore(%arg31 : memref<!tpu.dma_semaphore, #tpu.memory_space<semaphore_mem>>)
      } else {
      }
      %mul3A_285 = arith.constant 8 : i32
      %mul3A_286 = arith.muli %scan3A_212, %mul3A_285 : i32
      %add3A_287 = arith.constant 2 : i32
      %add3A_288 = arith.addi %mul3A_286, %add3A_287 : i32
      %ge3A_289 = arith.constant 8 : i32
      %ge3A_290 = arith.cmpi sge, %add3A_288, %ge3A_289 : i32
      %convert_element_type3A_291 = arith.extui %ge3A_290 : i1 to i32
      %cond3A_292 = arith.constant 0 : i32
      %cond3A_293 = arith.cmpi ne, %convert_element_type3A_291, %cond3A_292 : i32
      scf.if %cond3A_293 {
        %sub3A = arith.constant 8 : i32
        %sub3A_513 = arith.subi %add3A_288, %sub3A : i32
        %mul3A_514 = arith.constant 1 : i32
        %mul3A_515 = arith.muli %sub3A_513, %mul3A_514 : i32
        %add3A_516 = arith.addi %mul3A_2, %mul3A_515 : i32
        %dma_wait3A_517 = arith.constant 0 : i32
        %dma_wait3A_518 = arith.constant 0 : i32
        %dma_wait3A_519 = tpu.memref_slice %arg4[%add3A_516, %dma_wait3A_517, %dma_wait3A_518] : memref<4096x200x128xf32, #tpu.memory_space<hbm>> -> memref<1x200x64xf32, #tpu.memory_space<hbm>>
        %dma_wait3A_520 = arith.constant 0 : i32
        %dma_wait3A_521 = arith.constant 0 : i32
        %dma_wait3A_522 = tpu.memref_slice %arg4[%add3A_516, %dma_wait3A_520, %dma_wait3A_521] : memref<4096x200x128xf32, #tpu.memory_space<hbm>> -> memref<1x200x64xf32, #tpu.memory_space<hbm>>
        tpu.wait_dma2 semaphore(%arg31 : memref<!tpu.dma_semaphore, #tpu.memory_space<semaphore_mem>>) src(%arg15 : memref<1x200x64xf32, #tpu.memory_space<vmem>>) dst(%dma_wait3A_522 : memref<1x200x64xf32, #tpu.memory_space<hbm>>)
      } else {
      }
      %dma_start3A_294 = arith.constant 0 : i32
      %dma_start3A_295 = arith.constant 0 : i32
      %dma_start3A_296 = arith.constant 0 : i32
      %dma_start3A_297 = arith.constant 0 : i32
      %dma_start3A_298 = tpu.memref_slice %arg15[%dma_start3A_295, %dma_start3A_296, %dma_start3A_297] : memref<1x200x64xf32, #tpu.memory_space<vmem>> -> memref<1x200x64xf32, #tpu.memory_space<vmem>>
      %dma_start3A_299 = tpu.memref_squeeze %dma_start3A_298 : memref<1x200x64xf32, #tpu.memory_space<vmem>> -> memref<200x64xf32, #tpu.memory_space<vmem>>
      %dma_start3A_300 = arith.constant 0 : i32
      %dma_start3A_301 = tpu.memref_slice %arg7[%dma_start3A_294, %dma_start3A_300] : memref<1x200xi32, #tpu.memory_space<vmem>> -> memref<1x200xi32, #tpu.memory_space<vmem>>
      %dma_start3A_302 = tpu.memref_squeeze %dma_start3A_301 : memref<1x200xi32, #tpu.memory_space<vmem>> -> memref<200xi32, #tpu.memory_space<vmem>>
      %dma_start3A_303 = arith.constant 0 : i32
      %dma_start3A_304 = arith.constant 0 : i32
      %dma_start3A_305 = tpu.memref_slice %arg2[%dma_start3A_303, %dma_start3A_304] : memref<1000002x64xf32, #tpu.memory_space<hbm>> -> memref<1000002x64xf32, #tpu.memory_space<hbm>>
      tpu.enqueue_indirect_dma source(%dma_start3A_305 : memref<1000002x64xf32, #tpu.memory_space<hbm>>) target(%dma_start3A_299 : memref<200x64xf32, #tpu.memory_space<vmem>>) offsets(%dma_start3A_302 : memref<200xi32, #tpu.memory_space<vmem>>) semaphore(%arg23 : memref<!tpu.dma_semaphore, #tpu.memory_space<semaphore_mem>>)
      %ge3A_306 = arith.constant 7 : i32
      %ge3A_307 = arith.cmpi sge, %add3A_288, %ge3A_306 : i32
      %convert_element_type3A_308 = arith.extui %ge3A_307 : i1 to i32
      %cond3A_309 = arith.constant 0 : i32
      %cond3A_310 = arith.cmpi ne, %convert_element_type3A_308, %cond3A_309 : i32
      scf.if %cond3A_310 {
        %dma_wait3A_513 = arith.constant 0 : i32
        %dma_wait3A_514 = arith.constant 0 : i32
        %dma_wait3A_515 = arith.constant 0 : i32
        %dma_wait3A_516 = arith.constant 0 : i32
        %dma_wait3A_517 = tpu.memref_slice %arg16[%dma_wait3A_514, %dma_wait3A_515, %dma_wait3A_516] : memref<1x200x64xf32, #tpu.memory_space<vmem>> -> memref<1x200x64xf32, #tpu.memory_space<vmem>>
        %dma_wait3A_518 = tpu.memref_squeeze %dma_wait3A_517 : memref<1x200x64xf32, #tpu.memory_space<vmem>> -> memref<200x64xf32, #tpu.memory_space<vmem>>
        %dma_wait3A_519 = arith.constant 0 : i32
        %dma_wait3A_520 = tpu.memref_slice %arg8[%dma_wait3A_513, %dma_wait3A_519] : memref<1x200xi32, #tpu.memory_space<vmem>> -> memref<1x200xi32, #tpu.memory_space<vmem>>
        %dma_wait3A_521 = tpu.memref_squeeze %dma_wait3A_520 : memref<1x200xi32, #tpu.memory_space<vmem>> -> memref<200xi32, #tpu.memory_space<vmem>>
        %dma_wait3A_522 = arith.constant 0 : i32
        %dma_wait3A_523 = arith.constant 0 : i32
        %dma_wait3A_524 = tpu.memref_slice %arg2[%dma_wait3A_522, %dma_wait3A_523] : memref<1000002x64xf32, #tpu.memory_space<hbm>> -> memref<1000002x64xf32, #tpu.memory_space<hbm>>
        tpu.wait_indirect_dma semaphore(%arg24 : memref<!tpu.dma_semaphore, #tpu.memory_space<semaphore_mem>>) src(%dma_wait3A_524 : memref<1000002x64xf32, #tpu.memory_space<hbm>>) dst(%dma_wait3A_518 : memref<200x64xf32, #tpu.memory_space<vmem>>)
      } else {
      }
      %add3A_311 = arith.constant 1 : i32
      %add3A_312 = arith.addi %add3A_288, %add3A_311 : i32
      %lt3A_313 = arith.constant 128 : i32
      %lt3A_314 = arith.cmpi slt, %add3A_312, %lt3A_313 : i32
      %convert_element_type3A_315 = arith.extui %lt3A_314 : i1 to i32
      %cond3A_316 = arith.constant 0 : i32
      %cond3A_317 = arith.cmpi ne, %convert_element_type3A_315, %cond3A_316 : i32
      scf.if %cond3A_317 {
        %add3A_513 = arith.constant 1 : i32
        %add3A_514 = arith.addi %add3A_288, %add3A_513 : i32
        %mul3A_515 = arith.constant 1 : i32
        %mul3A_516 = arith.muli %add3A_514, %mul3A_515 : i32
        %add3A_517 = arith.addi %mul3A_2, %mul3A_516 : i32
        "tpu.region"() ({
          %run_scoped3A = tpu.sem_alloc : memref<!tpu.dma_semaphore, #tpu.memory_space<semaphore_mem>>
          %dma_start3A_518 = arith.constant 0 : i32
          %dma_start3A_519 = tpu.memref_slice %arg3[%add3A_517, %dma_start3A_518] : memref<4096x200xi32, #tpu.memory_space<hbm>> -> memref<1x200xi32, #tpu.memory_space<hbm>>
          %dma_start3A_520 = arith.constant 0 : i32
          %dma_start3A_521 = tpu.memref_slice %arg3[%add3A_517, %dma_start3A_520] : memref<4096x200xi32, #tpu.memory_space<hbm>> -> memref<1x200xi32, #tpu.memory_space<hbm>>
          tpu.enqueue_dma source(%dma_start3A_521 : memref<1x200xi32, #tpu.memory_space<hbm>>) target(%arg8 : memref<1x200xi32, #tpu.memory_space<vmem>>) target_semaphore(%run_scoped3A : memref<!tpu.dma_semaphore, #tpu.memory_space<semaphore_mem>>)
          %dma_wait3A_522 = arith.constant 0 : i32
          %dma_wait3A_523 = tpu.memref_slice %arg3[%add3A_517, %dma_wait3A_522] : memref<4096x200xi32, #tpu.memory_space<hbm>> -> memref<1x200xi32, #tpu.memory_space<hbm>>
          %dma_wait3A_524 = arith.constant 0 : i32
          %dma_wait3A_525 = tpu.memref_slice %arg3[%add3A_517, %dma_wait3A_524] : memref<4096x200xi32, #tpu.memory_space<hbm>> -> memref<1x200xi32, #tpu.memory_space<hbm>>
          tpu.wait_dma2 semaphore(%run_scoped3A : memref<!tpu.dma_semaphore, #tpu.memory_space<semaphore_mem>>) src(%dma_wait3A_525 : memref<1x200xi32, #tpu.memory_space<hbm>>) dst(%arg8 : memref<1x200xi32, #tpu.memory_space<vmem>>)
          tpu.yield
        }) : () -> ()
      } else {
      }
      %ge3A_318 = arith.constant 7 : i32
      %ge3A_319 = arith.cmpi sge, %add3A_288, %ge3A_318 : i32
      %convert_element_type3A_320 = arith.extui %ge3A_319 : i1 to i32
      %cond3A_321 = arith.constant 0 : i32
      %cond3A_322 = arith.cmpi ne, %convert_element_type3A_320, %cond3A_321 : i32
      scf.if %cond3A_322 {
        %sub3A = arith.constant 7 : i32
        %sub3A_513 = arith.subi %add3A_288, %sub3A : i32
        %mul3A_514 = arith.constant 1 : i32
        %mul3A_515 = arith.muli %sub3A_513, %mul3A_514 : i32
        %add3A_516 = arith.addi %mul3A_2, %mul3A_515 : i32
        %dma_start3A_517 = arith.constant 0 : i32
        %dma_start3A_518 = arith.constant 0 : i32
        %dma_start3A_519 = tpu.memref_slice %arg4[%add3A_516, %dma_start3A_517, %dma_start3A_518] : memref<4096x200x128xf32, #tpu.memory_space<hbm>> -> memref<1x200x64xf32, #tpu.memory_space<hbm>>
        %dma_start3A_520 = arith.constant 0 : i32
        %dma_start3A_521 = arith.constant 0 : i32
        %dma_start3A_522 = tpu.memref_slice %arg4[%add3A_516, %dma_start3A_520, %dma_start3A_521] : memref<4096x200x128xf32, #tpu.memory_space<hbm>> -> memref<1x200x64xf32, #tpu.memory_space<hbm>>
        tpu.enqueue_dma source(%arg16 : memref<1x200x64xf32, #tpu.memory_space<vmem>>) target(%dma_start3A_522 : memref<1x200x64xf32, #tpu.memory_space<hbm>>) target_semaphore(%arg32 : memref<!tpu.dma_semaphore, #tpu.memory_space<semaphore_mem>>)
      } else {
      }
      %mul3A_323 = arith.constant 8 : i32
      %mul3A_324 = arith.muli %scan3A_212, %mul3A_323 : i32
      %add3A_325 = arith.constant 3 : i32
      %add3A_326 = arith.addi %mul3A_324, %add3A_325 : i32
      %ge3A_327 = arith.constant 8 : i32
      %ge3A_328 = arith.cmpi sge, %add3A_326, %ge3A_327 : i32
      %convert_element_type3A_329 = arith.extui %ge3A_328 : i1 to i32
      %cond3A_330 = arith.constant 0 : i32
      %cond3A_331 = arith.cmpi ne, %convert_element_type3A_329, %cond3A_330 : i32
      scf.if %cond3A_331 {
        %sub3A = arith.constant 8 : i32
        %sub3A_513 = arith.subi %add3A_326, %sub3A : i32
        %mul3A_514 = arith.constant 1 : i32
        %mul3A_515 = arith.muli %sub3A_513, %mul3A_514 : i32
        %add3A_516 = arith.addi %mul3A_2, %mul3A_515 : i32
        %dma_wait3A_517 = arith.constant 0 : i32
        %dma_wait3A_518 = arith.constant 0 : i32
        %dma_wait3A_519 = tpu.memref_slice %arg4[%add3A_516, %dma_wait3A_517, %dma_wait3A_518] : memref<4096x200x128xf32, #tpu.memory_space<hbm>> -> memref<1x200x64xf32, #tpu.memory_space<hbm>>
        %dma_wait3A_520 = arith.constant 0 : i32
        %dma_wait3A_521 = arith.constant 0 : i32
        %dma_wait3A_522 = tpu.memref_slice %arg4[%add3A_516, %dma_wait3A_520, %dma_wait3A_521] : memref<4096x200x128xf32, #tpu.memory_space<hbm>> -> memref<1x200x64xf32, #tpu.memory_space<hbm>>
        tpu.wait_dma2 semaphore(%arg32 : memref<!tpu.dma_semaphore, #tpu.memory_space<semaphore_mem>>) src(%arg16 : memref<1x200x64xf32, #tpu.memory_space<vmem>>) dst(%dma_wait3A_522 : memref<1x200x64xf32, #tpu.memory_space<hbm>>)
      } else {
      }
      %dma_start3A_332 = arith.constant 0 : i32
      %dma_start3A_333 = arith.constant 0 : i32
      %dma_start3A_334 = arith.constant 0 : i32
      %dma_start3A_335 = arith.constant 0 : i32
      %dma_start3A_336 = tpu.memref_slice %arg16[%dma_start3A_333, %dma_start3A_334, %dma_start3A_335] : memref<1x200x64xf32, #tpu.memory_space<vmem>> -> memref<1x200x64xf32, #tpu.memory_space<vmem>>
      %dma_start3A_337 = tpu.memref_squeeze %dma_start3A_336 : memref<1x200x64xf32, #tpu.memory_space<vmem>> -> memref<200x64xf32, #tpu.memory_space<vmem>>
      %dma_start3A_338 = arith.constant 0 : i32
      %dma_start3A_339 = tpu.memref_slice %arg8[%dma_start3A_332, %dma_start3A_338] : memref<1x200xi32, #tpu.memory_space<vmem>> -> memref<1x200xi32, #tpu.memory_space<vmem>>
      %dma_start3A_340 = tpu.memref_squeeze %dma_start3A_339 : memref<1x200xi32, #tpu.memory_space<vmem>> -> memref<200xi32, #tpu.memory_space<vmem>>
      %dma_start3A_341 = arith.constant 0 : i32
      %dma_start3A_342 = arith.constant 0 : i32
      %dma_start3A_343 = tpu.memref_slice %arg2[%dma_start3A_341, %dma_start3A_342] : memref<1000002x64xf32, #tpu.memory_space<hbm>> -> memref<1000002x64xf32, #tpu.memory_space<hbm>>
      tpu.enqueue_indirect_dma source(%dma_start3A_343 : memref<1000002x64xf32, #tpu.memory_space<hbm>>) target(%dma_start3A_337 : memref<200x64xf32, #tpu.memory_space<vmem>>) offsets(%dma_start3A_340 : memref<200xi32, #tpu.memory_space<vmem>>) semaphore(%arg24 : memref<!tpu.dma_semaphore, #tpu.memory_space<semaphore_mem>>)
      %ge3A_344 = arith.constant 7 : i32
      %ge3A_345 = arith.cmpi sge, %add3A_326, %ge3A_344 : i32
      %convert_element_type3A_346 = arith.extui %ge3A_345 : i1 to i32
      %cond3A_347 = arith.constant 0 : i32
      %cond3A_348 = arith.cmpi ne, %convert_element_type3A_346, %cond3A_347 : i32
      scf.if %cond3A_348 {
        %dma_wait3A_513 = arith.constant 0 : i32
        %dma_wait3A_514 = arith.constant 0 : i32
        %dma_wait3A_515 = arith.constant 0 : i32
        %dma_wait3A_516 = arith.constant 0 : i32
        %dma_wait3A_517 = tpu.memref_slice %arg17[%dma_wait3A_514, %dma_wait3A_515, %dma_wait3A_516] : memref<1x200x64xf32, #tpu.memory_space<vmem>> -> memref<1x200x64xf32, #tpu.memory_space<vmem>>
        %dma_wait3A_518 = tpu.memref_squeeze %dma_wait3A_517 : memref<1x200x64xf32, #tpu.memory_space<vmem>> -> memref<200x64xf32, #tpu.memory_space<vmem>>
        %dma_wait3A_519 = arith.constant 0 : i32
        %dma_wait3A_520 = tpu.memref_slice %arg9[%dma_wait3A_513, %dma_wait3A_519] : memref<1x200xi32, #tpu.memory_space<vmem>> -> memref<1x200xi32, #tpu.memory_space<vmem>>
        %dma_wait3A_521 = tpu.memref_squeeze %dma_wait3A_520 : memref<1x200xi32, #tpu.memory_space<vmem>> -> memref<200xi32, #tpu.memory_space<vmem>>
        %dma_wait3A_522 = arith.constant 0 : i32
        %dma_wait3A_523 = arith.constant 0 : i32
        %dma_wait3A_524 = tpu.memref_slice %arg2[%dma_wait3A_522, %dma_wait3A_523] : memref<1000002x64xf32, #tpu.memory_space<hbm>> -> memref<1000002x64xf32, #tpu.memory_space<hbm>>
        tpu.wait_indirect_dma semaphore(%arg25 : memref<!tpu.dma_semaphore, #tpu.memory_space<semaphore_mem>>) src(%dma_wait3A_524 : memref<1000002x64xf32, #tpu.memory_space<hbm>>) dst(%dma_wait3A_518 : memref<200x64xf32, #tpu.memory_space<vmem>>)
      } else {
      }
      %add3A_349 = arith.constant 1 : i32
      %add3A_350 = arith.addi %add3A_326, %add3A_349 : i32
      %lt3A_351 = arith.constant 128 : i32
      %lt3A_352 = arith.cmpi slt, %add3A_350, %lt3A_351 : i32
      %convert_element_type3A_353 = arith.extui %lt3A_352 : i1 to i32
      %cond3A_354 = arith.constant 0 : i32
      %cond3A_355 = arith.cmpi ne, %convert_element_type3A_353, %cond3A_354 : i32
      scf.if %cond3A_355 {
        %add3A_513 = arith.constant 1 : i32
        %add3A_514 = arith.addi %add3A_326, %add3A_513 : i32
        %mul3A_515 = arith.constant 1 : i32
        %mul3A_516 = arith.muli %add3A_514, %mul3A_515 : i32
        %add3A_517 = arith.addi %mul3A_2, %mul3A_516 : i32
        "tpu.region"() ({
          %run_scoped3A = tpu.sem_alloc : memref<!tpu.dma_semaphore, #tpu.memory_space<semaphore_mem>>
          %dma_start3A_518 = arith.constant 0 : i32
          %dma_start3A_519 = tpu.memref_slice %arg3[%add3A_517, %dma_start3A_518] : memref<4096x200xi32, #tpu.memory_space<hbm>> -> memref<1x200xi32, #tpu.memory_space<hbm>>
          %dma_start3A_520 = arith.constant 0 : i32
          %dma_start3A_521 = tpu.memref_slice %arg3[%add3A_517, %dma_start3A_520] : memref<4096x200xi32, #tpu.memory_space<hbm>> -> memref<1x200xi32, #tpu.memory_space<hbm>>
          tpu.enqueue_dma source(%dma_start3A_521 : memref<1x200xi32, #tpu.memory_space<hbm>>) target(%arg9 : memref<1x200xi32, #tpu.memory_space<vmem>>) target_semaphore(%run_scoped3A : memref<!tpu.dma_semaphore, #tpu.memory_space<semaphore_mem>>)
          %dma_wait3A_522 = arith.constant 0 : i32
          %dma_wait3A_523 = tpu.memref_slice %arg3[%add3A_517, %dma_wait3A_522] : memref<4096x200xi32, #tpu.memory_space<hbm>> -> memref<1x200xi32, #tpu.memory_space<hbm>>
          %dma_wait3A_524 = arith.constant 0 : i32
          %dma_wait3A_525 = tpu.memref_slice %arg3[%add3A_517, %dma_wait3A_524] : memref<4096x200xi32, #tpu.memory_space<hbm>> -> memref<1x200xi32, #tpu.memory_space<hbm>>
          tpu.wait_dma2 semaphore(%run_scoped3A : memref<!tpu.dma_semaphore, #tpu.memory_space<semaphore_mem>>) src(%dma_wait3A_525 : memref<1x200xi32, #tpu.memory_space<hbm>>) dst(%arg9 : memref<1x200xi32, #tpu.memory_space<vmem>>)
          tpu.yield
        }) : () -> ()
      } else {
      }
      %ge3A_356 = arith.constant 7 : i32
      %ge3A_357 = arith.cmpi sge, %add3A_326, %ge3A_356 : i32
      %convert_element_type3A_358 = arith.extui %ge3A_357 : i1 to i32
      %cond3A_359 = arith.constant 0 : i32
      %cond3A_360 = arith.cmpi ne, %convert_element_type3A_358, %cond3A_359 : i32
      scf.if %cond3A_360 {
        %sub3A = arith.constant 7 : i32
        %sub3A_513 = arith.subi %add3A_326, %sub3A : i32
        %mul3A_514 = arith.constant 1 : i32
        %mul3A_515 = arith.muli %sub3A_513, %mul3A_514 : i32
        %add3A_516 = arith.addi %mul3A_2, %mul3A_515 : i32
        %dma_start3A_517 = arith.constant 0 : i32
        %dma_start3A_518 = arith.constant 0 : i32
        %dma_start3A_519 = tpu.memref_slice %arg4[%add3A_516, %dma_start3A_517, %dma_start3A_518] : memref<4096x200x128xf32, #tpu.memory_space<hbm>> -> memref<1x200x64xf32, #tpu.memory_space<hbm>>
        %dma_start3A_520 = arith.constant 0 : i32
        %dma_start3A_521 = arith.constant 0 : i32
        %dma_start3A_522 = tpu.memref_slice %arg4[%add3A_516, %dma_start3A_520, %dma_start3A_521] : memref<4096x200x128xf32, #tpu.memory_space<hbm>> -> memref<1x200x64xf32, #tpu.memory_space<hbm>>
        tpu.enqueue_dma source(%arg17 : memref<1x200x64xf32, #tpu.memory_space<vmem>>) target(%dma_start3A_522 : memref<1x200x64xf32, #tpu.memory_space<hbm>>) target_semaphore(%arg33 : memref<!tpu.dma_semaphore, #tpu.memory_space<semaphore_mem>>)
      } else {
      }
      %mul3A_361 = arith.constant 8 : i32
      %mul3A_362 = arith.muli %scan3A_212, %mul3A_361 : i32
      %add3A_363 = arith.constant 4 : i32
      %add3A_364 = arith.addi %mul3A_362, %add3A_363 : i32
      %ge3A_365 = arith.constant 8 : i32
      %ge3A_366 = arith.cmpi sge, %add3A_364, %ge3A_365 : i32
      %convert_element_type3A_367 = arith.extui %ge3A_366 : i1 to i32
      %cond3A_368 = arith.constant 0 : i32
      %cond3A_369 = arith.cmpi ne, %convert_element_type3A_367, %cond3A_368 : i32
      scf.if %cond3A_369 {
        %sub3A = arith.constant 8 : i32
        %sub3A_513 = arith.subi %add3A_364, %sub3A : i32
        %mul3A_514 = arith.constant 1 : i32
        %mul3A_515 = arith.muli %sub3A_513, %mul3A_514 : i32
        %add3A_516 = arith.addi %mul3A_2, %mul3A_515 : i32
        %dma_wait3A_517 = arith.constant 0 : i32
        %dma_wait3A_518 = arith.constant 0 : i32
        %dma_wait3A_519 = tpu.memref_slice %arg4[%add3A_516, %dma_wait3A_517, %dma_wait3A_518] : memref<4096x200x128xf32, #tpu.memory_space<hbm>> -> memref<1x200x64xf32, #tpu.memory_space<hbm>>
        %dma_wait3A_520 = arith.constant 0 : i32
        %dma_wait3A_521 = arith.constant 0 : i32
        %dma_wait3A_522 = tpu.memref_slice %arg4[%add3A_516, %dma_wait3A_520, %dma_wait3A_521] : memref<4096x200x128xf32, #tpu.memory_space<hbm>> -> memref<1x200x64xf32, #tpu.memory_space<hbm>>
        tpu.wait_dma2 semaphore(%arg33 : memref<!tpu.dma_semaphore, #tpu.memory_space<semaphore_mem>>) src(%arg17 : memref<1x200x64xf32, #tpu.memory_space<vmem>>) dst(%dma_wait3A_522 : memref<1x200x64xf32, #tpu.memory_space<hbm>>)
      } else {
      }
      %dma_start3A_370 = arith.constant 0 : i32
      %dma_start3A_371 = arith.constant 0 : i32
      %dma_start3A_372 = arith.constant 0 : i32
      %dma_start3A_373 = arith.constant 0 : i32
      %dma_start3A_374 = tpu.memref_slice %arg17[%dma_start3A_371, %dma_start3A_372, %dma_start3A_373] : memref<1x200x64xf32, #tpu.memory_space<vmem>> -> memref<1x200x64xf32, #tpu.memory_space<vmem>>
      %dma_start3A_375 = tpu.memref_squeeze %dma_start3A_374 : memref<1x200x64xf32, #tpu.memory_space<vmem>> -> memref<200x64xf32, #tpu.memory_space<vmem>>
      %dma_start3A_376 = arith.constant 0 : i32
      %dma_start3A_377 = tpu.memref_slice %arg9[%dma_start3A_370, %dma_start3A_376] : memref<1x200xi32, #tpu.memory_space<vmem>> -> memref<1x200xi32, #tpu.memory_space<vmem>>
      %dma_start3A_378 = tpu.memref_squeeze %dma_start3A_377 : memref<1x200xi32, #tpu.memory_space<vmem>> -> memref<200xi32, #tpu.memory_space<vmem>>
      %dma_start3A_379 = arith.constant 0 : i32
      %dma_start3A_380 = arith.constant 0 : i32
      %dma_start3A_381 = tpu.memref_slice %arg2[%dma_start3A_379, %dma_start3A_380] : memref<1000002x64xf32, #tpu.memory_space<hbm>> -> memref<1000002x64xf32, #tpu.memory_space<hbm>>
      tpu.enqueue_indirect_dma source(%dma_start3A_381 : memref<1000002x64xf32, #tpu.memory_space<hbm>>) target(%dma_start3A_375 : memref<200x64xf32, #tpu.memory_space<vmem>>) offsets(%dma_start3A_378 : memref<200xi32, #tpu.memory_space<vmem>>) semaphore(%arg25 : memref<!tpu.dma_semaphore, #tpu.memory_space<semaphore_mem>>)
      %ge3A_382 = arith.constant 7 : i32
      %ge3A_383 = arith.cmpi sge, %add3A_364, %ge3A_382 : i32
      %convert_element_type3A_384 = arith.extui %ge3A_383 : i1 to i32
      %cond3A_385 = arith.constant 0 : i32
      %cond3A_386 = arith.cmpi ne, %convert_element_type3A_384, %cond3A_385 : i32
      scf.if %cond3A_386 {
        %dma_wait3A_513 = arith.constant 0 : i32
        %dma_wait3A_514 = arith.constant 0 : i32
        %dma_wait3A_515 = arith.constant 0 : i32
        %dma_wait3A_516 = arith.constant 0 : i32
        %dma_wait3A_517 = tpu.memref_slice %arg18[%dma_wait3A_514, %dma_wait3A_515, %dma_wait3A_516] : memref<1x200x64xf32, #tpu.memory_space<vmem>> -> memref<1x200x64xf32, #tpu.memory_space<vmem>>
        %dma_wait3A_518 = tpu.memref_squeeze %dma_wait3A_517 : memref<1x200x64xf32, #tpu.memory_space<vmem>> -> memref<200x64xf32, #tpu.memory_space<vmem>>
        %dma_wait3A_519 = arith.constant 0 : i32
        %dma_wait3A_520 = tpu.memref_slice %arg10[%dma_wait3A_513, %dma_wait3A_519] : memref<1x200xi32, #tpu.memory_space<vmem>> -> memref<1x200xi32, #tpu.memory_space<vmem>>
        %dma_wait3A_521 = tpu.memref_squeeze %dma_wait3A_520 : memref<1x200xi32, #tpu.memory_space<vmem>> -> memref<200xi32, #tpu.memory_space<vmem>>
        %dma_wait3A_522 = arith.constant 0 : i32
        %dma_wait3A_523 = arith.constant 0 : i32
        %dma_wait3A_524 = tpu.memref_slice %arg2[%dma_wait3A_522, %dma_wait3A_523] : memref<1000002x64xf32, #tpu.memory_space<hbm>> -> memref<1000002x64xf32, #tpu.memory_space<hbm>>
        tpu.wait_indirect_dma semaphore(%arg26 : memref<!tpu.dma_semaphore, #tpu.memory_space<semaphore_mem>>) src(%dma_wait3A_524 : memref<1000002x64xf32, #tpu.memory_space<hbm>>) dst(%dma_wait3A_518 : memref<200x64xf32, #tpu.memory_space<vmem>>)
      } else {
      }
      %add3A_387 = arith.constant 1 : i32
      %add3A_388 = arith.addi %add3A_364, %add3A_387 : i32
      %lt3A_389 = arith.constant 128 : i32
      %lt3A_390 = arith.cmpi slt, %add3A_388, %lt3A_389 : i32
      %convert_element_type3A_391 = arith.extui %lt3A_390 : i1 to i32
      %cond3A_392 = arith.constant 0 : i32
      %cond3A_393 = arith.cmpi ne, %convert_element_type3A_391, %cond3A_392 : i32
      scf.if %cond3A_393 {
        %add3A_513 = arith.constant 1 : i32
        %add3A_514 = arith.addi %add3A_364, %add3A_513 : i32
        %mul3A_515 = arith.constant 1 : i32
        %mul3A_516 = arith.muli %add3A_514, %mul3A_515 : i32
        %add3A_517 = arith.addi %mul3A_2, %mul3A_516 : i32
        "tpu.region"() ({
          %run_scoped3A = tpu.sem_alloc : memref<!tpu.dma_semaphore, #tpu.memory_space<semaphore_mem>>
          %dma_start3A_518 = arith.constant 0 : i32
          %dma_start3A_519 = tpu.memref_slice %arg3[%add3A_517, %dma_start3A_518] : memref<4096x200xi32, #tpu.memory_space<hbm>> -> memref<1x200xi32, #tpu.memory_space<hbm>>
          %dma_start3A_520 = arith.constant 0 : i32
          %dma_start3A_521 = tpu.memref_slice %arg3[%add3A_517, %dma_start3A_520] : memref<4096x200xi32, #tpu.memory_space<hbm>> -> memref<1x200xi32, #tpu.memory_space<hbm>>
          tpu.enqueue_dma source(%dma_start3A_521 : memref<1x200xi32, #tpu.memory_space<hbm>>) target(%arg10 : memref<1x200xi32, #tpu.memory_space<vmem>>) target_semaphore(%run_scoped3A : memref<!tpu.dma_semaphore, #tpu.memory_space<semaphore_mem>>)
          %dma_wait3A_522 = arith.constant 0 : i32
          %dma_wait3A_523 = tpu.memref_slice %arg3[%add3A_517, %dma_wait3A_522] : memref<4096x200xi32, #tpu.memory_space<hbm>> -> memref<1x200xi32, #tpu.memory_space<hbm>>
          %dma_wait3A_524 = arith.constant 0 : i32
          %dma_wait3A_525 = tpu.memref_slice %arg3[%add3A_517, %dma_wait3A_524] : memref<4096x200xi32, #tpu.memory_space<hbm>> -> memref<1x200xi32, #tpu.memory_space<hbm>>
          tpu.wait_dma2 semaphore(%run_scoped3A : memref<!tpu.dma_semaphore, #tpu.memory_space<semaphore_mem>>) src(%dma_wait3A_525 : memref<1x200xi32, #tpu.memory_space<hbm>>) dst(%arg10 : memref<1x200xi32, #tpu.memory_space<vmem>>)
          tpu.yield
        }) : () -> ()
      } else {
      }
      %ge3A_394 = arith.constant 7 : i32
      %ge3A_395 = arith.cmpi sge, %add3A_364, %ge3A_394 : i32
      %convert_element_type3A_396 = arith.extui %ge3A_395 : i1 to i32
      %cond3A_397 = arith.constant 0 : i32
      %cond3A_398 = arith.cmpi ne, %convert_element_type3A_396, %cond3A_397 : i32
      scf.if %cond3A_398 {
        %sub3A = arith.constant 7 : i32
        %sub3A_513 = arith.subi %add3A_364, %sub3A : i32
        %mul3A_514 = arith.constant 1 : i32
        %mul3A_515 = arith.muli %sub3A_513, %mul3A_514 : i32
        %add3A_516 = arith.addi %mul3A_2, %mul3A_515 : i32
        %dma_start3A_517 = arith.constant 0 : i32
        %dma_start3A_518 = arith.constant 0 : i32
        %dma_start3A_519 = tpu.memref_slice %arg4[%add3A_516, %dma_start3A_517, %dma_start3A_518] : memref<4096x200x128xf32, #tpu.memory_space<hbm>> -> memref<1x200x64xf32, #tpu.memory_space<hbm>>
        %dma_start3A_520 = arith.constant 0 : i32
        %dma_start3A_521 = arith.constant 0 : i32
        %dma_start3A_522 = tpu.memref_slice %arg4[%add3A_516, %dma_start3A_520, %dma_start3A_521] : memref<4096x200x128xf32, #tpu.memory_space<hbm>> -> memref<1x200x64xf32, #tpu.memory_space<hbm>>
        tpu.enqueue_dma source(%arg18 : memref<1x200x64xf32, #tpu.memory_space<vmem>>) target(%dma_start3A_522 : memref<1x200x64xf32, #tpu.memory_space<hbm>>) target_semaphore(%arg34 : memref<!tpu.dma_semaphore, #tpu.memory_space<semaphore_mem>>)
      } else {
      }
      %mul3A_399 = arith.constant 8 : i32
      %mul3A_400 = arith.muli %scan3A_212, %mul3A_399 : i32
      %add3A_401 = arith.constant 5 : i32
      %add3A_402 = arith.addi %mul3A_400, %add3A_401 : i32
      %ge3A_403 = arith.constant 8 : i32
      %ge3A_404 = arith.cmpi sge, %add3A_402, %ge3A_403 : i32
      %convert_element_type3A_405 = arith.extui %ge3A_404 : i1 to i32
      %cond3A_406 = arith.constant 0 : i32
      %cond3A_407 = arith.cmpi ne, %convert_element_type3A_405, %cond3A_406 : i32
      scf.if %cond3A_407 {
        %sub3A = arith.constant 8 : i32
        %sub3A_513 = arith.subi %add3A_402, %sub3A : i32
        %mul3A_514 = arith.constant 1 : i32
        %mul3A_515 = arith.muli %sub3A_513, %mul3A_514 : i32
        %add3A_516 = arith.addi %mul3A_2, %mul3A_515 : i32
        %dma_wait3A_517 = arith.constant 0 : i32
        %dma_wait3A_518 = arith.constant 0 : i32
        %dma_wait3A_519 = tpu.memref_slice %arg4[%add3A_516, %dma_wait3A_517, %dma_wait3A_518] : memref<4096x200x128xf32, #tpu.memory_space<hbm>> -> memref<1x200x64xf32, #tpu.memory_space<hbm>>
        %dma_wait3A_520 = arith.constant 0 : i32
        %dma_wait3A_521 = arith.constant 0 : i32
        %dma_wait3A_522 = tpu.memref_slice %arg4[%add3A_516, %dma_wait3A_520, %dma_wait3A_521] : memref<4096x200x128xf32, #tpu.memory_space<hbm>> -> memref<1x200x64xf32, #tpu.memory_space<hbm>>
        tpu.wait_dma2 semaphore(%arg34 : memref<!tpu.dma_semaphore, #tpu.memory_space<semaphore_mem>>) src(%arg18 : memref<1x200x64xf32, #tpu.memory_space<vmem>>) dst(%dma_wait3A_522 : memref<1x200x64xf32, #tpu.memory_space<hbm>>)
      } else {
      }
      %dma_start3A_408 = arith.constant 0 : i32
      %dma_start3A_409 = arith.constant 0 : i32
      %dma_start3A_410 = arith.constant 0 : i32
      %dma_start3A_411 = arith.constant 0 : i32
      %dma_start3A_412 = tpu.memref_slice %arg18[%dma_start3A_409, %dma_start3A_410, %dma_start3A_411] : memref<1x200x64xf32, #tpu.memory_space<vmem>> -> memref<1x200x64xf32, #tpu.memory_space<vmem>>
      %dma_start3A_413 = tpu.memref_squeeze %dma_start3A_412 : memref<1x200x64xf32, #tpu.memory_space<vmem>> -> memref<200x64xf32, #tpu.memory_space<vmem>>
      %dma_start3A_414 = arith.constant 0 : i32
      %dma_start3A_415 = tpu.memref_slice %arg10[%dma_start3A_408, %dma_start3A_414] : memref<1x200xi32, #tpu.memory_space<vmem>> -> memref<1x200xi32, #tpu.memory_space<vmem>>
      %dma_start3A_416 = tpu.memref_squeeze %dma_start3A_415 : memref<1x200xi32, #tpu.memory_space<vmem>> -> memref<200xi32, #tpu.memory_space<vmem>>
      %dma_start3A_417 = arith.constant 0 : i32
      %dma_start3A_418 = arith.constant 0 : i32
      %dma_start3A_419 = tpu.memref_slice %arg2[%dma_start3A_417, %dma_start3A_418] : memref<1000002x64xf32, #tpu.memory_space<hbm>> -> memref<1000002x64xf32, #tpu.memory_space<hbm>>
      tpu.enqueue_indirect_dma source(%dma_start3A_419 : memref<1000002x64xf32, #tpu.memory_space<hbm>>) target(%dma_start3A_413 : memref<200x64xf32, #tpu.memory_space<vmem>>) offsets(%dma_start3A_416 : memref<200xi32, #tpu.memory_space<vmem>>) semaphore(%arg26 : memref<!tpu.dma_semaphore, #tpu.memory_space<semaphore_mem>>)
      %ge3A_420 = arith.constant 7 : i32
      %ge3A_421 = arith.cmpi sge, %add3A_402, %ge3A_420 : i32
      %convert_element_type3A_422 = arith.extui %ge3A_421 : i1 to i32
      %cond3A_423 = arith.constant 0 : i32
      %cond3A_424 = arith.cmpi ne, %convert_element_type3A_422, %cond3A_423 : i32
      scf.if %cond3A_424 {
        %dma_wait3A_513 = arith.constant 0 : i32
        %dma_wait3A_514 = arith.constant 0 : i32
        %dma_wait3A_515 = arith.constant 0 : i32
        %dma_wait3A_516 = arith.constant 0 : i32
        %dma_wait3A_517 = tpu.memref_slice %arg19[%dma_wait3A_514, %dma_wait3A_515, %dma_wait3A_516] : memref<1x200x64xf32, #tpu.memory_space<vmem>> -> memref<1x200x64xf32, #tpu.memory_space<vmem>>
        %dma_wait3A_518 = tpu.memref_squeeze %dma_wait3A_517 : memref<1x200x64xf32, #tpu.memory_space<vmem>> -> memref<200x64xf32, #tpu.memory_space<vmem>>
        %dma_wait3A_519 = arith.constant 0 : i32
        %dma_wait3A_520 = tpu.memref_slice %arg11[%dma_wait3A_513, %dma_wait3A_519] : memref<1x200xi32, #tpu.memory_space<vmem>> -> memref<1x200xi32, #tpu.memory_space<vmem>>
        %dma_wait3A_521 = tpu.memref_squeeze %dma_wait3A_520 : memref<1x200xi32, #tpu.memory_space<vmem>> -> memref<200xi32, #tpu.memory_space<vmem>>
        %dma_wait3A_522 = arith.constant 0 : i32
        %dma_wait3A_523 = arith.constant 0 : i32
        %dma_wait3A_524 = tpu.memref_slice %arg2[%dma_wait3A_522, %dma_wait3A_523] : memref<1000002x64xf32, #tpu.memory_space<hbm>> -> memref<1000002x64xf32, #tpu.memory_space<hbm>>
        tpu.wait_indirect_dma semaphore(%arg27 : memref<!tpu.dma_semaphore, #tpu.memory_space<semaphore_mem>>) src(%dma_wait3A_524 : memref<1000002x64xf32, #tpu.memory_space<hbm>>) dst(%dma_wait3A_518 : memref<200x64xf32, #tpu.memory_space<vmem>>)
      } else {
      }
      %add3A_425 = arith.constant 1 : i32
      %add3A_426 = arith.addi %add3A_402, %add3A_425 : i32
      %lt3A_427 = arith.constant 128 : i32
      %lt3A_428 = arith.cmpi slt, %add3A_426, %lt3A_427 : i32
      %convert_element_type3A_429 = arith.extui %lt3A_428 : i1 to i32
      %cond3A_430 = arith.constant 0 : i32
      %cond3A_431 = arith.cmpi ne, %convert_element_type3A_429, %cond3A_430 : i32
      scf.if %cond3A_431 {
        %add3A_513 = arith.constant 1 : i32
        %add3A_514 = arith.addi %add3A_402, %add3A_513 : i32
        %mul3A_515 = arith.constant 1 : i32
        %mul3A_516 = arith.muli %add3A_514, %mul3A_515 : i32
        %add3A_517 = arith.addi %mul3A_2, %mul3A_516 : i32
        "tpu.region"() ({
          %run_scoped3A = tpu.sem_alloc : memref<!tpu.dma_semaphore, #tpu.memory_space<semaphore_mem>>
          %dma_start3A_518 = arith.constant 0 : i32
          %dma_start3A_519 = tpu.memref_slice %arg3[%add3A_517, %dma_start3A_518] : memref<4096x200xi32, #tpu.memory_space<hbm>> -> memref<1x200xi32, #tpu.memory_space<hbm>>
          %dma_start3A_520 = arith.constant 0 : i32
          %dma_start3A_521 = tpu.memref_slice %arg3[%add3A_517, %dma_start3A_520] : memref<4096x200xi32, #tpu.memory_space<hbm>> -> memref<1x200xi32, #tpu.memory_space<hbm>>
          tpu.enqueue_dma source(%dma_start3A_521 : memref<1x200xi32, #tpu.memory_space<hbm>>) target(%arg11 : memref<1x200xi32, #tpu.memory_space<vmem>>) target_semaphore(%run_scoped3A : memref<!tpu.dma_semaphore, #tpu.memory_space<semaphore_mem>>)
          %dma_wait3A_522 = arith.constant 0 : i32
          %dma_wait3A_523 = tpu.memref_slice %arg3[%add3A_517, %dma_wait3A_522] : memref<4096x200xi32, #tpu.memory_space<hbm>> -> memref<1x200xi32, #tpu.memory_space<hbm>>
          %dma_wait3A_524 = arith.constant 0 : i32
          %dma_wait3A_525 = tpu.memref_slice %arg3[%add3A_517, %dma_wait3A_524] : memref<4096x200xi32, #tpu.memory_space<hbm>> -> memref<1x200xi32, #tpu.memory_space<hbm>>
          tpu.wait_dma2 semaphore(%run_scoped3A : memref<!tpu.dma_semaphore, #tpu.memory_space<semaphore_mem>>) src(%dma_wait3A_525 : memref<1x200xi32, #tpu.memory_space<hbm>>) dst(%arg11 : memref<1x200xi32, #tpu.memory_space<vmem>>)
          tpu.yield
        }) : () -> ()
      } else {
      }
      %ge3A_432 = arith.constant 7 : i32
      %ge3A_433 = arith.cmpi sge, %add3A_402, %ge3A_432 : i32
      %convert_element_type3A_434 = arith.extui %ge3A_433 : i1 to i32
      %cond3A_435 = arith.constant 0 : i32
      %cond3A_436 = arith.cmpi ne, %convert_element_type3A_434, %cond3A_435 : i32
      scf.if %cond3A_436 {
        %sub3A = arith.constant 7 : i32
        %sub3A_513 = arith.subi %add3A_402, %sub3A : i32
        %mul3A_514 = arith.constant 1 : i32
        %mul3A_515 = arith.muli %sub3A_513, %mul3A_514 : i32
        %add3A_516 = arith.addi %mul3A_2, %mul3A_515 : i32
        %dma_start3A_517 = arith.constant 0 : i32
        %dma_start3A_518 = arith.constant 0 : i32
        %dma_start3A_519 = tpu.memref_slice %arg4[%add3A_516, %dma_start3A_517, %dma_start3A_518] : memref<4096x200x128xf32, #tpu.memory_space<hbm>> -> memref<1x200x64xf32, #tpu.memory_space<hbm>>
        %dma_start3A_520 = arith.constant 0 : i32
        %dma_start3A_521 = arith.constant 0 : i32
        %dma_start3A_522 = tpu.memref_slice %arg4[%add3A_516, %dma_start3A_520, %dma_start3A_521] : memref<4096x200x128xf32, #tpu.memory_space<hbm>> -> memref<1x200x64xf32, #tpu.memory_space<hbm>>
        tpu.enqueue_dma source(%arg19 : memref<1x200x64xf32, #tpu.memory_space<vmem>>) target(%dma_start3A_522 : memref<1x200x64xf32, #tpu.memory_space<hbm>>) target_semaphore(%arg35 : memref<!tpu.dma_semaphore, #tpu.memory_space<semaphore_mem>>)
      } else {
      }
      %mul3A_437 = arith.constant 8 : i32
      %mul3A_438 = arith.muli %scan3A_212, %mul3A_437 : i32
      %add3A_439 = arith.constant 6 : i32
      %add3A_440 = arith.addi %mul3A_438, %add3A_439 : i32
      %ge3A_441 = arith.constant 8 : i32
      %ge3A_442 = arith.cmpi sge, %add3A_440, %ge3A_441 : i32
      %convert_element_type3A_443 = arith.extui %ge3A_442 : i1 to i32
      %cond3A_444 = arith.constant 0 : i32
      %cond3A_445 = arith.cmpi ne, %convert_element_type3A_443, %cond3A_444 : i32
      scf.if %cond3A_445 {
        %sub3A = arith.constant 8 : i32
        %sub3A_513 = arith.subi %add3A_440, %sub3A : i32
        %mul3A_514 = arith.constant 1 : i32
        %mul3A_515 = arith.muli %sub3A_513, %mul3A_514 : i32
        %add3A_516 = arith.addi %mul3A_2, %mul3A_515 : i32
        %dma_wait3A_517 = arith.constant 0 : i32
        %dma_wait3A_518 = arith.constant 0 : i32
        %dma_wait3A_519 = tpu.memref_slice %arg4[%add3A_516, %dma_wait3A_517, %dma_wait3A_518] : memref<4096x200x128xf32, #tpu.memory_space<hbm>> -> memref<1x200x64xf32, #tpu.memory_space<hbm>>
        %dma_wait3A_520 = arith.constant 0 : i32
        %dma_wait3A_521 = arith.constant 0 : i32
        %dma_wait3A_522 = tpu.memref_slice %arg4[%add3A_516, %dma_wait3A_520, %dma_wait3A_521] : memref<4096x200x128xf32, #tpu.memory_space<hbm>> -> memref<1x200x64xf32, #tpu.memory_space<hbm>>
        tpu.wait_dma2 semaphore(%arg35 : memref<!tpu.dma_semaphore, #tpu.memory_space<semaphore_mem>>) src(%arg19 : memref<1x200x64xf32, #tpu.memory_space<vmem>>) dst(%dma_wait3A_522 : memref<1x200x64xf32, #tpu.memory_space<hbm>>)
      } else {
      }
      %dma_start3A_446 = arith.constant 0 : i32
      %dma_start3A_447 = arith.constant 0 : i32
      %dma_start3A_448 = arith.constant 0 : i32
      %dma_start3A_449 = arith.constant 0 : i32
      %dma_start3A_450 = tpu.memref_slice %arg19[%dma_start3A_447, %dma_start3A_448, %dma_start3A_449] : memref<1x200x64xf32, #tpu.memory_space<vmem>> -> memref<1x200x64xf32, #tpu.memory_space<vmem>>
      %dma_start3A_451 = tpu.memref_squeeze %dma_start3A_450 : memref<1x200x64xf32, #tpu.memory_space<vmem>> -> memref<200x64xf32, #tpu.memory_space<vmem>>
      %dma_start3A_452 = arith.constant 0 : i32
      %dma_start3A_453 = tpu.memref_slice %arg11[%dma_start3A_446, %dma_start3A_452] : memref<1x200xi32, #tpu.memory_space<vmem>> -> memref<1x200xi32, #tpu.memory_space<vmem>>
      %dma_start3A_454 = tpu.memref_squeeze %dma_start3A_453 : memref<1x200xi32, #tpu.memory_space<vmem>> -> memref<200xi32, #tpu.memory_space<vmem>>
      %dma_start3A_455 = arith.constant 0 : i32
      %dma_start3A_456 = arith.constant 0 : i32
      %dma_start3A_457 = tpu.memref_slice %arg2[%dma_start3A_455, %dma_start3A_456] : memref<1000002x64xf32, #tpu.memory_space<hbm>> -> memref<1000002x64xf32, #tpu.memory_space<hbm>>
      tpu.enqueue_indirect_dma source(%dma_start3A_457 : memref<1000002x64xf32, #tpu.memory_space<hbm>>) target(%dma_start3A_451 : memref<200x64xf32, #tpu.memory_space<vmem>>) offsets(%dma_start3A_454 : memref<200xi32, #tpu.memory_space<vmem>>) semaphore(%arg27 : memref<!tpu.dma_semaphore, #tpu.memory_space<semaphore_mem>>)
      %ge3A_458 = arith.constant 7 : i32
      %ge3A_459 = arith.cmpi sge, %add3A_440, %ge3A_458 : i32
      %convert_element_type3A_460 = arith.extui %ge3A_459 : i1 to i32
      %cond3A_461 = arith.constant 0 : i32
      %cond3A_462 = arith.cmpi ne, %convert_element_type3A_460, %cond3A_461 : i32
      scf.if %cond3A_462 {
        %dma_wait3A_513 = arith.constant 0 : i32
        %dma_wait3A_514 = arith.constant 0 : i32
        %dma_wait3A_515 = arith.constant 0 : i32
        %dma_wait3A_516 = arith.constant 0 : i32
        %dma_wait3A_517 = tpu.memref_slice %arg20[%dma_wait3A_514, %dma_wait3A_515, %dma_wait3A_516] : memref<1x200x64xf32, #tpu.memory_space<vmem>> -> memref<1x200x64xf32, #tpu.memory_space<vmem>>
        %dma_wait3A_518 = tpu.memref_squeeze %dma_wait3A_517 : memref<1x200x64xf32, #tpu.memory_space<vmem>> -> memref<200x64xf32, #tpu.memory_space<vmem>>
        %dma_wait3A_519 = arith.constant 0 : i32
        %dma_wait3A_520 = tpu.memref_slice %arg12[%dma_wait3A_513, %dma_wait3A_519] : memref<1x200xi32, #tpu.memory_space<vmem>> -> memref<1x200xi32, #tpu.memory_space<vmem>>
        %dma_wait3A_521 = tpu.memref_squeeze %dma_wait3A_520 : memref<1x200xi32, #tpu.memory_space<vmem>> -> memref<200xi32, #tpu.memory_space<vmem>>
        %dma_wait3A_522 = arith.constant 0 : i32
        %dma_wait3A_523 = arith.constant 0 : i32
        %dma_wait3A_524 = tpu.memref_slice %arg2[%dma_wait3A_522, %dma_wait3A_523] : memref<1000002x64xf32, #tpu.memory_space<hbm>> -> memref<1000002x64xf32, #tpu.memory_space<hbm>>
        tpu.wait_indirect_dma semaphore(%arg28 : memref<!tpu.dma_semaphore, #tpu.memory_space<semaphore_mem>>) src(%dma_wait3A_524 : memref<1000002x64xf32, #tpu.memory_space<hbm>>) dst(%dma_wait3A_518 : memref<200x64xf32, #tpu.memory_space<vmem>>)
      } else {
      }
      %add3A_463 = arith.constant 1 : i32
      %add3A_464 = arith.addi %add3A_440, %add3A_463 : i32
      %lt3A_465 = arith.constant 128 : i32
      %lt3A_466 = arith.cmpi slt, %add3A_464, %lt3A_465 : i32
      %convert_element_type3A_467 = arith.extui %lt3A_466 : i1 to i32
      %cond3A_468 = arith.constant 0 : i32
      %cond3A_469 = arith.cmpi ne, %convert_element_type3A_467, %cond3A_468 : i32
      scf.if %cond3A_469 {
        %add3A_513 = arith.constant 1 : i32
        %add3A_514 = arith.addi %add3A_440, %add3A_513 : i32
        %mul3A_515 = arith.constant 1 : i32
        %mul3A_516 = arith.muli %add3A_514, %mul3A_515 : i32
        %add3A_517 = arith.addi %mul3A_2, %mul3A_516 : i32
        "tpu.region"() ({
          %run_scoped3A = tpu.sem_alloc : memref<!tpu.dma_semaphore, #tpu.memory_space<semaphore_mem>>
          %dma_start3A_518 = arith.constant 0 : i32
          %dma_start3A_519 = tpu.memref_slice %arg3[%add3A_517, %dma_start3A_518] : memref<4096x200xi32, #tpu.memory_space<hbm>> -> memref<1x200xi32, #tpu.memory_space<hbm>>
          %dma_start3A_520 = arith.constant 0 : i32
          %dma_start3A_521 = tpu.memref_slice %arg3[%add3A_517, %dma_start3A_520] : memref<4096x200xi32, #tpu.memory_space<hbm>> -> memref<1x200xi32, #tpu.memory_space<hbm>>
          tpu.enqueue_dma source(%dma_start3A_521 : memref<1x200xi32, #tpu.memory_space<hbm>>) target(%arg12 : memref<1x200xi32, #tpu.memory_space<vmem>>) target_semaphore(%run_scoped3A : memref<!tpu.dma_semaphore, #tpu.memory_space<semaphore_mem>>)
          %dma_wait3A_522 = arith.constant 0 : i32
          %dma_wait3A_523 = tpu.memref_slice %arg3[%add3A_517, %dma_wait3A_522] : memref<4096x200xi32, #tpu.memory_space<hbm>> -> memref<1x200xi32, #tpu.memory_space<hbm>>
          %dma_wait3A_524 = arith.constant 0 : i32
          %dma_wait3A_525 = tpu.memref_slice %arg3[%add3A_517, %dma_wait3A_524] : memref<4096x200xi32, #tpu.memory_space<hbm>> -> memref<1x200xi32, #tpu.memory_space<hbm>>
          tpu.wait_dma2 semaphore(%run_scoped3A : memref<!tpu.dma_semaphore, #tpu.memory_space<semaphore_mem>>) src(%dma_wait3A_525 : memref<1x200xi32, #tpu.memory_space<hbm>>) dst(%arg12 : memref<1x200xi32, #tpu.memory_space<vmem>>)
          tpu.yield
        }) : () -> ()
      } else {
      }
      %ge3A_470 = arith.constant 7 : i32
      %ge3A_471 = arith.cmpi sge, %add3A_440, %ge3A_470 : i32
      %convert_element_type3A_472 = arith.extui %ge3A_471 : i1 to i32
      %cond3A_473 = arith.constant 0 : i32
      %cond3A_474 = arith.cmpi ne, %convert_element_type3A_472, %cond3A_473 : i32
      scf.if %cond3A_474 {
        %sub3A = arith.constant 7 : i32
        %sub3A_513 = arith.subi %add3A_440, %sub3A : i32
        %mul3A_514 = arith.constant 1 : i32
        %mul3A_515 = arith.muli %sub3A_513, %mul3A_514 : i32
        %add3A_516 = arith.addi %mul3A_2, %mul3A_515 : i32
        %dma_start3A_517 = arith.constant 0 : i32
        %dma_start3A_518 = arith.constant 0 : i32
        %dma_start3A_519 = tpu.memref_slice %arg4[%add3A_516, %dma_start3A_517, %dma_start3A_518] : memref<4096x200x128xf32, #tpu.memory_space<hbm>> -> memref<1x200x64xf32, #tpu.memory_space<hbm>>
        %dma_start3A_520 = arith.constant 0 : i32
        %dma_start3A_521 = arith.constant 0 : i32
        %dma_start3A_522 = tpu.memref_slice %arg4[%add3A_516, %dma_start3A_520, %dma_start3A_521] : memref<4096x200x128xf32, #tpu.memory_space<hbm>> -> memref<1x200x64xf32, #tpu.memory_space<hbm>>
        tpu.enqueue_dma source(%arg20 : memref<1x200x64xf32, #tpu.memory_space<vmem>>) target(%dma_start3A_522 : memref<1x200x64xf32, #tpu.memory_space<hbm>>) target_semaphore(%arg36 : memref<!tpu.dma_semaphore, #tpu.memory_space<semaphore_mem>>)
      } else {
      }
      %mul3A_475 = arith.constant 8 : i32
      %mul3A_476 = arith.muli %scan3A_212, %mul3A_475 : i32
      %add3A_477 = arith.constant 7 : i32
      %add3A_478 = arith.addi %mul3A_476, %add3A_477 : i32
      %ge3A_479 = arith.constant 8 : i32
      %ge3A_480 = arith.cmpi sge, %add3A_478, %ge3A_479 : i32
      %convert_element_type3A_481 = arith.extui %ge3A_480 : i1 to i32
      %cond3A_482 = arith.constant 0 : i32
      %cond3A_483 = arith.cmpi ne, %convert_element_type3A_481, %cond3A_482 : i32
      scf.if %cond3A_483 {
        %sub3A = arith.constant 8 : i32
        %sub3A_513 = arith.subi %add3A_478, %sub3A : i32
        %mul3A_514 = arith.constant 1 : i32
        %mul3A_515 = arith.muli %sub3A_513, %mul3A_514 : i32
        %add3A_516 = arith.addi %mul3A_2, %mul3A_515 : i32
        %dma_wait3A_517 = arith.constant 0 : i32
        %dma_wait3A_518 = arith.constant 0 : i32
        %dma_wait3A_519 = tpu.memref_slice %arg4[%add3A_516, %dma_wait3A_517, %dma_wait3A_518] : memref<4096x200x128xf32, #tpu.memory_space<hbm>> -> memref<1x200x64xf32, #tpu.memory_space<hbm>>
        %dma_wait3A_520 = arith.constant 0 : i32
        %dma_wait3A_521 = arith.constant 0 : i32
        %dma_wait3A_522 = tpu.memref_slice %arg4[%add3A_516, %dma_wait3A_520, %dma_wait3A_521] : memref<4096x200x128xf32, #tpu.memory_space<hbm>> -> memref<1x200x64xf32, #tpu.memory_space<hbm>>
        tpu.wait_dma2 semaphore(%arg36 : memref<!tpu.dma_semaphore, #tpu.memory_space<semaphore_mem>>) src(%arg20 : memref<1x200x64xf32, #tpu.memory_space<vmem>>) dst(%dma_wait3A_522 : memref<1x200x64xf32, #tpu.memory_space<hbm>>)
      } else {
      }
      %dma_start3A_484 = arith.constant 0 : i32
      %dma_start3A_485 = arith.constant 0 : i32
      %dma_start3A_486 = arith.constant 0 : i32
      %dma_start3A_487 = arith.constant 0 : i32
      %dma_start3A_488 = tpu.memref_slice %arg20[%dma_start3A_485, %dma_start3A_486, %dma_start3A_487] : memref<1x200x64xf32, #tpu.memory_space<vmem>> -> memref<1x200x64xf32, #tpu.memory_space<vmem>>
      %dma_start3A_489 = tpu.memref_squeeze %dma_start3A_488 : memref<1x200x64xf32, #tpu.memory_space<vmem>> -> memref<200x64xf32, #tpu.memory_space<vmem>>
      %dma_start3A_490 = arith.constant 0 : i32
      %dma_start3A_491 = tpu.memref_slice %arg12[%dma_start3A_484, %dma_start3A_490] : memref<1x200xi32, #tpu.memory_space<vmem>> -> memref<1x200xi32, #tpu.memory_space<vmem>>
      %dma_start3A_492 = tpu.memref_squeeze %dma_start3A_491 : memref<1x200xi32, #tpu.memory_space<vmem>> -> memref<200xi32, #tpu.memory_space<vmem>>
      %dma_start3A_493 = arith.constant 0 : i32
      %dma_start3A_494 = arith.constant 0 : i32
      %dma_start3A_495 = tpu.memref_slice %arg2[%dma_start3A_493, %dma_start3A_494] : memref<1000002x64xf32, #tpu.memory_space<hbm>> -> memref<1000002x64xf32, #tpu.memory_space<hbm>>
      tpu.enqueue_indirect_dma source(%dma_start3A_495 : memref<1000002x64xf32, #tpu.memory_space<hbm>>) target(%dma_start3A_489 : memref<200x64xf32, #tpu.memory_space<vmem>>) offsets(%dma_start3A_492 : memref<200xi32, #tpu.memory_space<vmem>>) semaphore(%arg28 : memref<!tpu.dma_semaphore, #tpu.memory_space<semaphore_mem>>)
      %ge3A_496 = arith.constant 7 : i32
      %ge3A_497 = arith.cmpi sge, %add3A_478, %ge3A_496 : i32
      %convert_element_type3A_498 = arith.extui %ge3A_497 : i1 to i32
      %cond3A_499 = arith.constant 0 : i32
      %cond3A_500 = arith.cmpi ne, %convert_element_type3A_498, %cond3A_499 : i32
      scf.if %cond3A_500 {
        %dma_wait3A_513 = arith.constant 0 : i32
        %dma_wait3A_514 = arith.constant 0 : i32
        %dma_wait3A_515 = arith.constant 0 : i32
        %dma_wait3A_516 = arith.constant 0 : i32
        %dma_wait3A_517 = tpu.memref_slice %arg13[%dma_wait3A_514, %dma_wait3A_515, %dma_wait3A_516] : memref<1x200x64xf32, #tpu.memory_space<vmem>> -> memref<1x200x64xf32, #tpu.memory_space<vmem>>
        %dma_wait3A_518 = tpu.memref_squeeze %dma_wait3A_517 : memref<1x200x64xf32, #tpu.memory_space<vmem>> -> memref<200x64xf32, #tpu.memory_space<vmem>>
        %dma_wait3A_519 = arith.constant 0 : i32
        %dma_wait3A_520 = tpu.memref_slice %arg5[%dma_wait3A_513, %dma_wait3A_519] : memref<1x200xi32, #tpu.memory_space<vmem>> -> memref<1x200xi32, #tpu.memory_space<vmem>>
        %dma_wait3A_521 = tpu.memref_squeeze %dma_wait3A_520 : memref<1x200xi32, #tpu.memory_space<vmem>> -> memref<200xi32, #tpu.memory_space<vmem>>
        %dma_wait3A_522 = arith.constant 0 : i32
        %dma_wait3A_523 = arith.constant 0 : i32
        %dma_wait3A_524 = tpu.memref_slice %arg2[%dma_wait3A_522, %dma_wait3A_523] : memref<1000002x64xf32, #tpu.memory_space<hbm>> -> memref<1000002x64xf32, #tpu.memory_space<hbm>>
        tpu.wait_indirect_dma semaphore(%arg21 : memref<!tpu.dma_semaphore, #tpu.memory_space<semaphore_mem>>) src(%dma_wait3A_524 : memref<1000002x64xf32, #tpu.memory_space<hbm>>) dst(%dma_wait3A_518 : memref<200x64xf32, #tpu.memory_space<vmem>>)
      } else {
      }
      %add3A_501 = arith.constant 1 : i32
      %add3A_502 = arith.addi %add3A_478, %add3A_501 : i32
      %lt3A_503 = arith.constant 128 : i32
      %lt3A_504 = arith.cmpi slt, %add3A_502, %lt3A_503 : i32
      %convert_element_type3A_505 = arith.extui %lt3A_504 : i1 to i32
      %cond3A_506 = arith.constant 0 : i32
      %cond3A_507 = arith.cmpi ne, %convert_element_type3A_505, %cond3A_506 : i32
      scf.if %cond3A_507 {
        %add3A_513 = arith.constant 1 : i32
        %add3A_514 = arith.addi %add3A_478, %add3A_513 : i32
        %mul3A_515 = arith.constant 1 : i32
        %mul3A_516 = arith.muli %add3A_514, %mul3A_515 : i32
        %add3A_517 = arith.addi %mul3A_2, %mul3A_516 : i32
        "tpu.region"() ({
          %run_scoped3A = tpu.sem_alloc : memref<!tpu.dma_semaphore, #tpu.memory_space<semaphore_mem>>
          %dma_start3A_518 = arith.constant 0 : i32
          %dma_start3A_519 = tpu.memref_slice %arg3[%add3A_517, %dma_start3A_518] : memref<4096x200xi32, #tpu.memory_space<hbm>> -> memref<1x200xi32, #tpu.memory_space<hbm>>
          %dma_start3A_520 = arith.constant 0 : i32
          %dma_start3A_521 = tpu.memref_slice %arg3[%add3A_517, %dma_start3A_520] : memref<4096x200xi32, #tpu.memory_space<hbm>> -> memref<1x200xi32, #tpu.memory_space<hbm>>
          tpu.enqueue_dma source(%dma_start3A_521 : memref<1x200xi32, #tpu.memory_space<hbm>>) target(%arg5 : memref<1x200xi32, #tpu.memory_space<vmem>>) target_semaphore(%run_scoped3A : memref<!tpu.dma_semaphore, #tpu.memory_space<semaphore_mem>>)
          %dma_wait3A_522 = arith.constant 0 : i32
          %dma_wait3A_523 = tpu.memref_slice %arg3[%add3A_517, %dma_wait3A_522] : memref<4096x200xi32, #tpu.memory_space<hbm>> -> memref<1x200xi32, #tpu.memory_space<hbm>>
          %dma_wait3A_524 = arith.constant 0 : i32
          %dma_wait3A_525 = tpu.memref_slice %arg3[%add3A_517, %dma_wait3A_524] : memref<4096x200xi32, #tpu.memory_space<hbm>> -> memref<1x200xi32, #tpu.memory_space<hbm>>
          tpu.wait_dma2 semaphore(%run_scoped3A : memref<!tpu.dma_semaphore, #tpu.memory_space<semaphore_mem>>) src(%dma_wait3A_525 : memref<1x200xi32, #tpu.memory_space<hbm>>) dst(%arg5 : memref<1x200xi32, #tpu.memory_space<vmem>>)
          tpu.yield
        }) : () -> ()
      } else {
      }
      %ge3A_508 = arith.constant 7 : i32
      %ge3A_509 = arith.cmpi sge, %add3A_478, %ge3A_508 : i32
      %convert_element_type3A_510 = arith.extui %ge3A_509 : i1 to i32
      %cond3A_511 = arith.constant 0 : i32
      %cond3A_512 = arith.cmpi ne, %convert_element_type3A_510, %cond3A_511 : i32
      scf.if %cond3A_512 {
        %sub3A = arith.constant 7 : i32
        %sub3A_513 = arith.subi %add3A_478, %sub3A : i32
        %mul3A_514 = arith.constant 1 : i32
        %mul3A_515 = arith.muli %sub3A_513, %mul3A_514 : i32
        %add3A_516 = arith.addi %mul3A_2, %mul3A_515 : i32
        %dma_start3A_517 = arith.constant 0 : i32
        %dma_start3A_518 = arith.constant 0 : i32
        %dma_start3A_519 = tpu.memref_slice %arg4[%add3A_516, %dma_start3A_517, %dma_start3A_518] : memref<4096x200x128xf32, #tpu.memory_space<hbm>> -> memref<1x200x64xf32, #tpu.memory_space<hbm>>
        %dma_start3A_520 = arith.constant 0 : i32
        %dma_start3A_521 = arith.constant 0 : i32
        %dma_start3A_522 = tpu.memref_slice %arg4[%add3A_516, %dma_start3A_520, %dma_start3A_521] : memref<4096x200x128xf32, #tpu.memory_space<hbm>> -> memref<1x200x64xf32, #tpu.memory_space<hbm>>
        tpu.enqueue_dma source(%arg13 : memref<1x200x64xf32, #tpu.memory_space<vmem>>) target(%dma_start3A_522 : memref<1x200x64xf32, #tpu.memory_space<hbm>>) target_semaphore(%arg29 : memref<!tpu.dma_semaphore, #tpu.memory_space<semaphore_mem>>)
      } else {
      }
    }
    %scan3A_9 = arith.constant 16 : i32
    %dma_wait3A = arith.constant 0 : i32
    %dma_wait3A_10 = arith.constant 0 : i32
    %dma_wait3A_11 = arith.constant 0 : i32
    %dma_wait3A_12 = arith.constant 0 : i32
    %dma_wait3A_13 = tpu.memref_slice %arg14[%dma_wait3A_10, %dma_wait3A_11, %dma_wait3A_12] : memref<1x200x64xf32, #tpu.memory_space<vmem>> -> memref<1x200x64xf32, #tpu.memory_space<vmem>>
    %dma_wait3A_14 = tpu.memref_squeeze %dma_wait3A_13 : memref<1x200x64xf32, #tpu.memory_space<vmem>> -> memref<200x64xf32, #tpu.memory_space<vmem>>
    %dma_wait3A_15 = arith.constant 0 : i32
    %dma_wait3A_16 = tpu.memref_slice %arg6[%dma_wait3A, %dma_wait3A_15] : memref<1x200xi32, #tpu.memory_space<vmem>> -> memref<1x200xi32, #tpu.memory_space<vmem>>
    %dma_wait3A_17 = tpu.memref_squeeze %dma_wait3A_16 : memref<1x200xi32, #tpu.memory_space<vmem>> -> memref<200xi32, #tpu.memory_space<vmem>>
    %dma_wait3A_18 = arith.constant 0 : i32
    %dma_wait3A_19 = arith.constant 0 : i32
    %dma_wait3A_20 = tpu.memref_slice %arg2[%dma_wait3A_18, %dma_wait3A_19] : memref<1000002x64xf32, #tpu.memory_space<hbm>> -> memref<1000002x64xf32, #tpu.memory_space<hbm>>
    tpu.wait_indirect_dma semaphore(%arg22 : memref<!tpu.dma_semaphore, #tpu.memory_space<semaphore_mem>>) src(%dma_wait3A_20 : memref<1000002x64xf32, #tpu.memory_space<hbm>>) dst(%dma_wait3A_14 : memref<200x64xf32, #tpu.memory_space<vmem>>)
    %add3A_21 = arith.constant 121 : i32
    %add3A_22 = arith.addi %mul3A_2, %add3A_21 : i32
    %dma_start3A = arith.constant 0 : i32
    %dma_start3A_23 = arith.constant 0 : i32
    %dma_start3A_24 = tpu.memref_slice %arg4[%add3A_22, %dma_start3A, %dma_start3A_23] : memref<4096x200x128xf32, #tpu.memory_space<hbm>> -> memref<1x200x64xf32, #tpu.memory_space<hbm>>
    %dma_start3A_25 = arith.constant 0 : i32
    %dma_start3A_26 = arith.constant 0 : i32
    %dma_start3A_27 = tpu.memref_slice %arg4[%add3A_22, %dma_start3A_25, %dma_start3A_26] : memref<4096x200x128xf32, #tpu.memory_space<hbm>> -> memref<1x200x64xf32, #tpu.memory_space<hbm>>
    tpu.enqueue_dma source(%arg14 : memref<1x200x64xf32, #tpu.memory_space<vmem>>) target(%dma_start3A_27 : memref<1x200x64xf32, #tpu.memory_space<hbm>>) target_semaphore(%arg30 : memref<!tpu.dma_semaphore, #tpu.memory_space<semaphore_mem>>)
    %dma_wait3A_28 = arith.constant 0 : i32
    %dma_wait3A_29 = arith.constant 0 : i32
    %dma_wait3A_30 = arith.constant 0 : i32
    %dma_wait3A_31 = arith.constant 0 : i32
    %dma_wait3A_32 = tpu.memref_slice %arg15[%dma_wait3A_29, %dma_wait3A_30, %dma_wait3A_31] : memref<1x200x64xf32, #tpu.memory_space<vmem>> -> memref<1x200x64xf32, #tpu.memory_space<vmem>>
    %dma_wait3A_33 = tpu.memref_squeeze %dma_wait3A_32 : memref<1x200x64xf32, #tpu.memory_space<vmem>> -> memref<200x64xf32, #tpu.memory_space<vmem>>
    %dma_wait3A_34 = arith.constant 0 : i32
    %dma_wait3A_35 = tpu.memref_slice %arg7[%dma_wait3A_28, %dma_wait3A_34] : memref<1x200xi32, #tpu.memory_space<vmem>> -> memref<1x200xi32, #tpu.memory_space<vmem>>
    %dma_wait3A_36 = tpu.memref_squeeze %dma_wait3A_35 : memref<1x200xi32, #tpu.memory_space<vmem>> -> memref<200xi32, #tpu.memory_space<vmem>>
    %dma_wait3A_37 = arith.constant 0 : i32
    %dma_wait3A_38 = arith.constant 0 : i32
    %dma_wait3A_39 = tpu.memref_slice %arg2[%dma_wait3A_37, %dma_wait3A_38] : memref<1000002x64xf32, #tpu.memory_space<hbm>> -> memref<1000002x64xf32, #tpu.memory_space<hbm>>
    tpu.wait_indirect_dma semaphore(%arg23 : memref<!tpu.dma_semaphore, #tpu.memory_space<semaphore_mem>>) src(%dma_wait3A_39 : memref<1000002x64xf32, #tpu.memory_space<hbm>>) dst(%dma_wait3A_33 : memref<200x64xf32, #tpu.memory_space<vmem>>)
    %add3A_40 = arith.constant 122 : i32
    %add3A_41 = arith.addi %mul3A_2, %add3A_40 : i32
    %dma_start3A_42 = arith.constant 0 : i32
    %dma_start3A_43 = arith.constant 0 : i32
    %dma_start3A_44 = tpu.memref_slice %arg4[%add3A_41, %dma_start3A_42, %dma_start3A_43] : memref<4096x200x128xf32, #tpu.memory_space<hbm>> -> memref<1x200x64xf32, #tpu.memory_space<hbm>>
    %dma_start3A_45 = arith.constant 0 : i32
    %dma_start3A_46 = arith.constant 0 : i32
    %dma_start3A_47 = tpu.memref_slice %arg4[%add3A_41, %dma_start3A_45, %dma_start3A_46] : memref<4096x200x128xf32, #tpu.memory_space<hbm>> -> memref<1x200x64xf32, #tpu.memory_space<hbm>>
    tpu.enqueue_dma source(%arg15 : memref<1x200x64xf32, #tpu.memory_space<vmem>>) target(%dma_start3A_47 : memref<1x200x64xf32, #tpu.memory_space<hbm>>) target_semaphore(%arg31 : memref<!tpu.dma_semaphore, #tpu.memory_space<semaphore_mem>>)
    %dma_wait3A_48 = arith.constant 0 : i32
    %dma_wait3A_49 = arith.constant 0 : i32
    %dma_wait3A_50 = arith.constant 0 : i32
    %dma_wait3A_51 = arith.constant 0 : i32
    %dma_wait3A_52 = tpu.memref_slice %arg16[%dma_wait3A_49, %dma_wait3A_50, %dma_wait3A_51] : memref<1x200x64xf32, #tpu.memory_space<vmem>> -> memref<1x200x64xf32, #tpu.memory_space<vmem>>
    %dma_wait3A_53 = tpu.memref_squeeze %dma_wait3A_52 : memref<1x200x64xf32, #tpu.memory_space<vmem>> -> memref<200x64xf32, #tpu.memory_space<vmem>>
    %dma_wait3A_54 = arith.constant 0 : i32
    %dma_wait3A_55 = tpu.memref_slice %arg8[%dma_wait3A_48, %dma_wait3A_54] : memref<1x200xi32, #tpu.memory_space<vmem>> -> memref<1x200xi32, #tpu.memory_space<vmem>>
    %dma_wait3A_56 = tpu.memref_squeeze %dma_wait3A_55 : memref<1x200xi32, #tpu.memory_space<vmem>> -> memref<200xi32, #tpu.memory_space<vmem>>
    %dma_wait3A_57 = arith.constant 0 : i32
    %dma_wait3A_58 = arith.constant 0 : i32
    %dma_wait3A_59 = tpu.memref_slice %arg2[%dma_wait3A_57, %dma_wait3A_58] : memref<1000002x64xf32, #tpu.memory_space<hbm>> -> memref<1000002x64xf32, #tpu.memory_space<hbm>>
    tpu.wait_indirect_dma semaphore(%arg24 : memref<!tpu.dma_semaphore, #tpu.memory_space<semaphore_mem>>) src(%dma_wait3A_59 : memref<1000002x64xf32, #tpu.memory_space<hbm>>) dst(%dma_wait3A_53 : memref<200x64xf32, #tpu.memory_space<vmem>>)
    %add3A_60 = arith.constant 123 : i32
    %add3A_61 = arith.addi %mul3A_2, %add3A_60 : i32
    %dma_start3A_62 = arith.constant 0 : i32
    %dma_start3A_63 = arith.constant 0 : i32
    %dma_start3A_64 = tpu.memref_slice %arg4[%add3A_61, %dma_start3A_62, %dma_start3A_63] : memref<4096x200x128xf32, #tpu.memory_space<hbm>> -> memref<1x200x64xf32, #tpu.memory_space<hbm>>
    %dma_start3A_65 = arith.constant 0 : i32
    %dma_start3A_66 = arith.constant 0 : i32
    %dma_start3A_67 = tpu.memref_slice %arg4[%add3A_61, %dma_start3A_65, %dma_start3A_66] : memref<4096x200x128xf32, #tpu.memory_space<hbm>> -> memref<1x200x64xf32, #tpu.memory_space<hbm>>
    tpu.enqueue_dma source(%arg16 : memref<1x200x64xf32, #tpu.memory_space<vmem>>) target(%dma_start3A_67 : memref<1x200x64xf32, #tpu.memory_space<hbm>>) target_semaphore(%arg32 : memref<!tpu.dma_semaphore, #tpu.memory_space<semaphore_mem>>)
    %dma_wait3A_68 = arith.constant 0 : i32
    %dma_wait3A_69 = arith.constant 0 : i32
    %dma_wait3A_70 = arith.constant 0 : i32
    %dma_wait3A_71 = arith.constant 0 : i32
    %dma_wait3A_72 = tpu.memref_slice %arg17[%dma_wait3A_69, %dma_wait3A_70, %dma_wait3A_71] : memref<1x200x64xf32, #tpu.memory_space<vmem>> -> memref<1x200x64xf32, #tpu.memory_space<vmem>>
    %dma_wait3A_73 = tpu.memref_squeeze %dma_wait3A_72 : memref<1x200x64xf32, #tpu.memory_space<vmem>> -> memref<200x64xf32, #tpu.memory_space<vmem>>
    %dma_wait3A_74 = arith.constant 0 : i32
    %dma_wait3A_75 = tpu.memref_slice %arg9[%dma_wait3A_68, %dma_wait3A_74] : memref<1x200xi32, #tpu.memory_space<vmem>> -> memref<1x200xi32, #tpu.memory_space<vmem>>
    %dma_wait3A_76 = tpu.memref_squeeze %dma_wait3A_75 : memref<1x200xi32, #tpu.memory_space<vmem>> -> memref<200xi32, #tpu.memory_space<vmem>>
    %dma_wait3A_77 = arith.constant 0 : i32
    %dma_wait3A_78 = arith.constant 0 : i32
    %dma_wait3A_79 = tpu.memref_slice %arg2[%dma_wait3A_77, %dma_wait3A_78] : memref<1000002x64xf32, #tpu.memory_space<hbm>> -> memref<1000002x64xf32, #tpu.memory_space<hbm>>
    tpu.wait_indirect_dma semaphore(%arg25 : memref<!tpu.dma_semaphore, #tpu.memory_space<semaphore_mem>>) src(%dma_wait3A_79 : memref<1000002x64xf32, #tpu.memory_space<hbm>>) dst(%dma_wait3A_73 : memref<200x64xf32, #tpu.memory_space<vmem>>)
    %add3A_80 = arith.constant 124 : i32
    %add3A_81 = arith.addi %mul3A_2, %add3A_80 : i32
    %dma_start3A_82 = arith.constant 0 : i32
    %dma_start3A_83 = arith.constant 0 : i32
    %dma_start3A_84 = tpu.memref_slice %arg4[%add3A_81, %dma_start3A_82, %dma_start3A_83] : memref<4096x200x128xf32, #tpu.memory_space<hbm>> -> memref<1x200x64xf32, #tpu.memory_space<hbm>>
    %dma_start3A_85 = arith.constant 0 : i32
    %dma_start3A_86 = arith.constant 0 : i32
    %dma_start3A_87 = tpu.memref_slice %arg4[%add3A_81, %dma_start3A_85, %dma_start3A_86] : memref<4096x200x128xf32, #tpu.memory_space<hbm>> -> memref<1x200x64xf32, #tpu.memory_space<hbm>>
    tpu.enqueue_dma source(%arg17 : memref<1x200x64xf32, #tpu.memory_space<vmem>>) target(%dma_start3A_87 : memref<1x200x64xf32, #tpu.memory_space<hbm>>) target_semaphore(%arg33 : memref<!tpu.dma_semaphore, #tpu.memory_space<semaphore_mem>>)
    %dma_wait3A_88 = arith.constant 0 : i32
    %dma_wait3A_89 = arith.constant 0 : i32
    %dma_wait3A_90 = arith.constant 0 : i32
    %dma_wait3A_91 = arith.constant 0 : i32
    %dma_wait3A_92 = tpu.memref_slice %arg18[%dma_wait3A_89, %dma_wait3A_90, %dma_wait3A_91] : memref<1x200x64xf32, #tpu.memory_space<vmem>> -> memref<1x200x64xf32, #tpu.memory_space<vmem>>
    %dma_wait3A_93 = tpu.memref_squeeze %dma_wait3A_92 : memref<1x200x64xf32, #tpu.memory_space<vmem>> -> memref<200x64xf32, #tpu.memory_space<vmem>>
    %dma_wait3A_94 = arith.constant 0 : i32
    %dma_wait3A_95 = tpu.memref_slice %arg10[%dma_wait3A_88, %dma_wait3A_94] : memref<1x200xi32, #tpu.memory_space<vmem>> -> memref<1x200xi32, #tpu.memory_space<vmem>>
    %dma_wait3A_96 = tpu.memref_squeeze %dma_wait3A_95 : memref<1x200xi32, #tpu.memory_space<vmem>> -> memref<200xi32, #tpu.memory_space<vmem>>
    %dma_wait3A_97 = arith.constant 0 : i32
    %dma_wait3A_98 = arith.constant 0 : i32
    %dma_wait3A_99 = tpu.memref_slice %arg2[%dma_wait3A_97, %dma_wait3A_98] : memref<1000002x64xf32, #tpu.memory_space<hbm>> -> memref<1000002x64xf32, #tpu.memory_space<hbm>>
    tpu.wait_indirect_dma semaphore(%arg26 : memref<!tpu.dma_semaphore, #tpu.memory_space<semaphore_mem>>) src(%dma_wait3A_99 : memref<1000002x64xf32, #tpu.memory_space<hbm>>) dst(%dma_wait3A_93 : memref<200x64xf32, #tpu.memory_space<vmem>>)
    %add3A_100 = arith.constant 125 : i32
    %add3A_101 = arith.addi %mul3A_2, %add3A_100 : i32
    %dma_start3A_102 = arith.constant 0 : i32
    %dma_start3A_103 = arith.constant 0 : i32
    %dma_start3A_104 = tpu.memref_slice %arg4[%add3A_101, %dma_start3A_102, %dma_start3A_103] : memref<4096x200x128xf32, #tpu.memory_space<hbm>> -> memref<1x200x64xf32, #tpu.memory_space<hbm>>
    %dma_start3A_105 = arith.constant 0 : i32
    %dma_start3A_106 = arith.constant 0 : i32
    %dma_start3A_107 = tpu.memref_slice %arg4[%add3A_101, %dma_start3A_105, %dma_start3A_106] : memref<4096x200x128xf32, #tpu.memory_space<hbm>> -> memref<1x200x64xf32, #tpu.memory_space<hbm>>
    tpu.enqueue_dma source(%arg18 : memref<1x200x64xf32, #tpu.memory_space<vmem>>) target(%dma_start3A_107 : memref<1x200x64xf32, #tpu.memory_space<hbm>>) target_semaphore(%arg34 : memref<!tpu.dma_semaphore, #tpu.memory_space<semaphore_mem>>)
    %dma_wait3A_108 = arith.constant 0 : i32
    %dma_wait3A_109 = arith.constant 0 : i32
    %dma_wait3A_110 = arith.constant 0 : i32
    %dma_wait3A_111 = arith.constant 0 : i32
    %dma_wait3A_112 = tpu.memref_slice %arg19[%dma_wait3A_109, %dma_wait3A_110, %dma_wait3A_111] : memref<1x200x64xf32, #tpu.memory_space<vmem>> -> memref<1x200x64xf32, #tpu.memory_space<vmem>>
    %dma_wait3A_113 = tpu.memref_squeeze %dma_wait3A_112 : memref<1x200x64xf32, #tpu.memory_space<vmem>> -> memref<200x64xf32, #tpu.memory_space<vmem>>
    %dma_wait3A_114 = arith.constant 0 : i32
    %dma_wait3A_115 = tpu.memref_slice %arg11[%dma_wait3A_108, %dma_wait3A_114] : memref<1x200xi32, #tpu.memory_space<vmem>> -> memref<1x200xi32, #tpu.memory_space<vmem>>
    %dma_wait3A_116 = tpu.memref_squeeze %dma_wait3A_115 : memref<1x200xi32, #tpu.memory_space<vmem>> -> memref<200xi32, #tpu.memory_space<vmem>>
    %dma_wait3A_117 = arith.constant 0 : i32
    %dma_wait3A_118 = arith.constant 0 : i32
    %dma_wait3A_119 = tpu.memref_slice %arg2[%dma_wait3A_117, %dma_wait3A_118] : memref<1000002x64xf32, #tpu.memory_space<hbm>> -> memref<1000002x64xf32, #tpu.memory_space<hbm>>
    tpu.wait_indirect_dma semaphore(%arg27 : memref<!tpu.dma_semaphore, #tpu.memory_space<semaphore_mem>>) src(%dma_wait3A_119 : memref<1000002x64xf32, #tpu.memory_space<hbm>>) dst(%dma_wait3A_113 : memref<200x64xf32, #tpu.memory_space<vmem>>)
    %add3A_120 = arith.constant 126 : i32
    %add3A_121 = arith.addi %mul3A_2, %add3A_120 : i32
    %dma_start3A_122 = arith.constant 0 : i32
    %dma_start3A_123 = arith.constant 0 : i32
    %dma_start3A_124 = tpu.memref_slice %arg4[%add3A_121, %dma_start3A_122, %dma_start3A_123] : memref<4096x200x128xf32, #tpu.memory_space<hbm>> -> memref<1x200x64xf32, #tpu.memory_space<hbm>>
    %dma_start3A_125 = arith.constant 0 : i32
    %dma_start3A_126 = arith.constant 0 : i32
    %dma_start3A_127 = tpu.memref_slice %arg4[%add3A_121, %dma_start3A_125, %dma_start3A_126] : memref<4096x200x128xf32, #tpu.memory_space<hbm>> -> memref<1x200x64xf32, #tpu.memory_space<hbm>>
    tpu.enqueue_dma source(%arg19 : memref<1x200x64xf32, #tpu.memory_space<vmem>>) target(%dma_start3A_127 : memref<1x200x64xf32, #tpu.memory_space<hbm>>) target_semaphore(%arg35 : memref<!tpu.dma_semaphore, #tpu.memory_space<semaphore_mem>>)
    %dma_wait3A_128 = arith.constant 0 : i32
    %dma_wait3A_129 = arith.constant 0 : i32
    %dma_wait3A_130 = arith.constant 0 : i32
    %dma_wait3A_131 = arith.constant 0 : i32
    %dma_wait3A_132 = tpu.memref_slice %arg20[%dma_wait3A_129, %dma_wait3A_130, %dma_wait3A_131] : memref<1x200x64xf32, #tpu.memory_space<vmem>> -> memref<1x200x64xf32, #tpu.memory_space<vmem>>
    %dma_wait3A_133 = tpu.memref_squeeze %dma_wait3A_132 : memref<1x200x64xf32, #tpu.memory_space<vmem>> -> memref<200x64xf32, #tpu.memory_space<vmem>>
    %dma_wait3A_134 = arith.constant 0 : i32
    %dma_wait3A_135 = tpu.memref_slice %arg12[%dma_wait3A_128, %dma_wait3A_134] : memref<1x200xi32, #tpu.memory_space<vmem>> -> memref<1x200xi32, #tpu.memory_space<vmem>>
    %dma_wait3A_136 = tpu.memref_squeeze %dma_wait3A_135 : memref<1x200xi32, #tpu.memory_space<vmem>> -> memref<200xi32, #tpu.memory_space<vmem>>
    %dma_wait3A_137 = arith.constant 0 : i32
    %dma_wait3A_138 = arith.constant 0 : i32
    %dma_wait3A_139 = tpu.memref_slice %arg2[%dma_wait3A_137, %dma_wait3A_138] : memref<1000002x64xf32, #tpu.memory_space<hbm>> -> memref<1000002x64xf32, #tpu.memory_space<hbm>>
    tpu.wait_indirect_dma semaphore(%arg28 : memref<!tpu.dma_semaphore, #tpu.memory_space<semaphore_mem>>) src(%dma_wait3A_139 : memref<1000002x64xf32, #tpu.memory_space<hbm>>) dst(%dma_wait3A_133 : memref<200x64xf32, #tpu.memory_space<vmem>>)
    %add3A_140 = arith.constant 127 : i32
    %add3A_141 = arith.addi %mul3A_2, %add3A_140 : i32
    %dma_start3A_142 = arith.constant 0 : i32
    %dma_start3A_143 = arith.constant 0 : i32
    %dma_start3A_144 = tpu.memref_slice %arg4[%add3A_141, %dma_start3A_142, %dma_start3A_143] : memref<4096x200x128xf32, #tpu.memory_space<hbm>> -> memref<1x200x64xf32, #tpu.memory_space<hbm>>
    %dma_start3A_145 = arith.constant 0 : i32
    %dma_start3A_146 = arith.constant 0 : i32
    %dma_start3A_147 = tpu.memref_slice %arg4[%add3A_141, %dma_start3A_145, %dma_start3A_146] : memref<4096x200x128xf32, #tpu.memory_space<hbm>> -> memref<1x200x64xf32, #tpu.memory_space<hbm>>
    tpu.enqueue_dma source(%arg20 : memref<1x200x64xf32, #tpu.memory_space<vmem>>) target(%dma_start3A_147 : memref<1x200x64xf32, #tpu.memory_space<hbm>>) target_semaphore(%arg36 : memref<!tpu.dma_semaphore, #tpu.memory_space<semaphore_mem>>)
    %add3A_148 = arith.constant 120 : i32
    %add3A_149 = arith.addi %mul3A_2, %add3A_148 : i32
    %dma_wait3A_150 = arith.constant 0 : i32
    %dma_wait3A_151 = arith.constant 0 : i32
    %dma_wait3A_152 = tpu.memref_slice %arg4[%add3A_149, %dma_wait3A_150, %dma_wait3A_151] : memref<4096x200x128xf32, #tpu.memory_space<hbm>> -> memref<1x200x64xf32, #tpu.memory_space<hbm>>
    %dma_wait3A_153 = arith.constant 0 : i32
    %dma_wait3A_154 = arith.constant 0 : i32
    %dma_wait3A_155 = tpu.memref_slice %arg4[%add3A_149, %dma_wait3A_153, %dma_wait3A_154] : memref<4096x200x128xf32, #tpu.memory_space<hbm>> -> memref<1x200x64xf32, #tpu.memory_space<hbm>>
    tpu.wait_dma2 semaphore(%arg29 : memref<!tpu.dma_semaphore, #tpu.memory_space<semaphore_mem>>) src(%arg13 : memref<1x200x64xf32, #tpu.memory_space<vmem>>) dst(%dma_wait3A_155 : memref<1x200x64xf32, #tpu.memory_space<hbm>>)
    %add3A_156 = arith.constant 121 : i32
    %add3A_157 = arith.addi %mul3A_2, %add3A_156 : i32
    %dma_wait3A_158 = arith.constant 0 : i32
    %dma_wait3A_159 = arith.constant 0 : i32
    %dma_wait3A_160 = tpu.memref_slice %arg4[%add3A_157, %dma_wait3A_158, %dma_wait3A_159] : memref<4096x200x128xf32, #tpu.memory_space<hbm>> -> memref<1x200x64xf32, #tpu.memory_space<hbm>>
    %dma_wait3A_161 = arith.constant 0 : i32
    %dma_wait3A_162 = arith.constant 0 : i32
    %dma_wait3A_163 = tpu.memref_slice %arg4[%add3A_157, %dma_wait3A_161, %dma_wait3A_162] : memref<4096x200x128xf32, #tpu.memory_space<hbm>> -> memref<1x200x64xf32, #tpu.memory_space<hbm>>
    tpu.wait_dma2 semaphore(%arg30 : memref<!tpu.dma_semaphore, #tpu.memory_space<semaphore_mem>>) src(%arg14 : memref<1x200x64xf32, #tpu.memory_space<vmem>>) dst(%dma_wait3A_163 : memref<1x200x64xf32, #tpu.memory_space<hbm>>)
    %add3A_164 = arith.constant 122 : i32
    %add3A_165 = arith.addi %mul3A_2, %add3A_164 : i32
    %dma_wait3A_166 = arith.constant 0 : i32
    %dma_wait3A_167 = arith.constant 0 : i32
    %dma_wait3A_168 = tpu.memref_slice %arg4[%add3A_165, %dma_wait3A_166, %dma_wait3A_167] : memref<4096x200x128xf32, #tpu.memory_space<hbm>> -> memref<1x200x64xf32, #tpu.memory_space<hbm>>
    %dma_wait3A_169 = arith.constant 0 : i32
    %dma_wait3A_170 = arith.constant 0 : i32
    %dma_wait3A_171 = tpu.memref_slice %arg4[%add3A_165, %dma_wait3A_169, %dma_wait3A_170] : memref<4096x200x128xf32, #tpu.memory_space<hbm>> -> memref<1x200x64xf32, #tpu.memory_space<hbm>>
    tpu.wait_dma2 semaphore(%arg31 : memref<!tpu.dma_semaphore, #tpu.memory_space<semaphore_mem>>) src(%arg15 : memref<1x200x64xf32, #tpu.memory_space<vmem>>) dst(%dma_wait3A_171 : memref<1x200x64xf32, #tpu.memory_space<hbm>>)
    %add3A_172 = arith.constant 123 : i32
    %add3A_173 = arith.addi %mul3A_2, %add3A_172 : i32
    %dma_wait3A_174 = arith.constant 0 : i32
    %dma_wait3A_175 = arith.constant 0 : i32
    %dma_wait3A_176 = tpu.memref_slice %arg4[%add3A_173, %dma_wait3A_174, %dma_wait3A_175] : memref<4096x200x128xf32, #tpu.memory_space<hbm>> -> memref<1x200x64xf32, #tpu.memory_space<hbm>>
    %dma_wait3A_177 = arith.constant 0 : i32
    %dma_wait3A_178 = arith.constant 0 : i32
    %dma_wait3A_179 = tpu.memref_slice %arg4[%add3A_173, %dma_wait3A_177, %dma_wait3A_178] : memref<4096x200x128xf32, #tpu.memory_space<hbm>> -> memref<1x200x64xf32, #tpu.memory_space<hbm>>
    tpu.wait_dma2 semaphore(%arg32 : memref<!tpu.dma_semaphore, #tpu.memory_space<semaphore_mem>>) src(%arg16 : memref<1x200x64xf32, #tpu.memory_space<vmem>>) dst(%dma_wait3A_179 : memref<1x200x64xf32, #tpu.memory_space<hbm>>)
    %add3A_180 = arith.constant 124 : i32
    %add3A_181 = arith.addi %mul3A_2, %add3A_180 : i32
    %dma_wait3A_182 = arith.constant 0 : i32
    %dma_wait3A_183 = arith.constant 0 : i32
    %dma_wait3A_184 = tpu.memref_slice %arg4[%add3A_181, %dma_wait3A_182, %dma_wait3A_183] : memref<4096x200x128xf32, #tpu.memory_space<hbm>> -> memref<1x200x64xf32, #tpu.memory_space<hbm>>
    %dma_wait3A_185 = arith.constant 0 : i32
    %dma_wait3A_186 = arith.constant 0 : i32
    %dma_wait3A_187 = tpu.memref_slice %arg4[%add3A_181, %dma_wait3A_185, %dma_wait3A_186] : memref<4096x200x128xf32, #tpu.memory_space<hbm>> -> memref<1x200x64xf32, #tpu.memory_space<hbm>>
    tpu.wait_dma2 semaphore(%arg33 : memref<!tpu.dma_semaphore, #tpu.memory_space<semaphore_mem>>) src(%arg17 : memref<1x200x64xf32, #tpu.memory_space<vmem>>) dst(%dma_wait3A_187 : memref<1x200x64xf32, #tpu.memory_space<hbm>>)
    %add3A_188 = arith.constant 125 : i32
    %add3A_189 = arith.addi %mul3A_2, %add3A_188 : i32
    %dma_wait3A_190 = arith.constant 0 : i32
    %dma_wait3A_191 = arith.constant 0 : i32
    %dma_wait3A_192 = tpu.memref_slice %arg4[%add3A_189, %dma_wait3A_190, %dma_wait3A_191] : memref<4096x200x128xf32, #tpu.memory_space<hbm>> -> memref<1x200x64xf32, #tpu.memory_space<hbm>>
    %dma_wait3A_193 = arith.constant 0 : i32
    %dma_wait3A_194 = arith.constant 0 : i32
    %dma_wait3A_195 = tpu.memref_slice %arg4[%add3A_189, %dma_wait3A_193, %dma_wait3A_194] : memref<4096x200x128xf32, #tpu.memory_space<hbm>> -> memref<1x200x64xf32, #tpu.memory_space<hbm>>
    tpu.wait_dma2 semaphore(%arg34 : memref<!tpu.dma_semaphore, #tpu.memory_space<semaphore_mem>>) src(%arg18 : memref<1x200x64xf32, #tpu.memory_space<vmem>>) dst(%dma_wait3A_195 : memref<1x200x64xf32, #tpu.memory_space<hbm>>)
    %add3A_196 = arith.constant 126 : i32
    %add3A_197 = arith.addi %mul3A_2, %add3A_196 : i32
    %dma_wait3A_198 = arith.constant 0 : i32
    %dma_wait3A_199 = arith.constant 0 : i32
    %dma_wait3A_200 = tpu.memref_slice %arg4[%add3A_197, %dma_wait3A_198, %dma_wait3A_199] : memref<4096x200x128xf32, #tpu.memory_space<hbm>> -> memref<1x200x64xf32, #tpu.memory_space<hbm>>
    %dma_wait3A_201 = arith.constant 0 : i32
    %dma_wait3A_202 = arith.constant 0 : i32
    %dma_wait3A_203 = tpu.memref_slice %arg4[%add3A_197, %dma_wait3A_201, %dma_wait3A_202] : memref<4096x200x128xf32, #tpu.memory_space<hbm>> -> memref<1x200x64xf32, #tpu.memory_space<hbm>>
    tpu.wait_dma2 semaphore(%arg35 : memref<!tpu.dma_semaphore, #tpu.memory_space<semaphore_mem>>) src(%arg19 : memref<1x200x64xf32, #tpu.memory_space<vmem>>) dst(%dma_wait3A_203 : memref<1x200x64xf32, #tpu.memory_space<hbm>>)
    %add3A_204 = arith.constant 127 : i32
    %add3A_205 = arith.addi %mul3A_2, %add3A_204 : i32
    %dma_wait3A_206 = arith.constant 0 : i32
    %dma_wait3A_207 = arith.constant 0 : i32
    %dma_wait3A_208 = tpu.memref_slice %arg4[%add3A_205, %dma_wait3A_206, %dma_wait3A_207] : memref<4096x200x128xf32, #tpu.memory_space<hbm>> -> memref<1x200x64xf32, #tpu.memory_space<hbm>>
    %dma_wait3A_209 = arith.constant 0 : i32
    %dma_wait3A_210 = arith.constant 0 : i32
    %dma_wait3A_211 = tpu.memref_slice %arg4[%add3A_205, %dma_wait3A_209, %dma_wait3A_210] : memref<4096x200x128xf32, #tpu.memory_space<hbm>> -> memref<1x200x64xf32, #tpu.memory_space<hbm>>
    tpu.wait_dma2 semaphore(%arg36 : memref<!tpu.dma_semaphore, #tpu.memory_space<semaphore_mem>>) src(%arg20 : memref<1x200x64xf32, #tpu.memory_space<vmem>>) dst(%dma_wait3A_211 : memref<1x200x64xf32, #tpu.memory_space<hbm>>)
    return
  }
}

</mosaic_0001>

<sc_bundles>
// kernel: kernel.3.cloned.1.call-start
scs
__scs_entry_jumppad:
0x0: {  	(pc) =	sbr.rel $0x88, $3  }
0x1: {  	(tag) =	ssettag $0x0;
	lr =	simm.s32 $0x1  }
0x2: {  	[smem:$0x3F9F] =	sst lr;
	_ =	strace $0xD0000000  }
0x3: {  	_ = 	snop  }
0x4: {  	_ = 	snop  }
0x5: {  	_ = 	snop  }
0x6: {  	_ = 	snop  }
0x7: {  	_ = 	snop  }
__scs_overlays_trampoline_lowered:
0x8: {  	[smem:$0x3FAE] =	sst s0  }
0x9: {  	[smem:$0x3FAF] =	sst s1  }
0xa: {  	[smem:$0x3FB0] =	sst s2  }
0xb: {  	[smem:$0x3FB1] =	sst s3  }
0xc: {  	[smem:$0x3FB2] =	sst s4  }
0xd: {  	[smem:$0x3FB3] =	sst s5  }
0xe: {  	[smem:$0x3FB4] =	sst s6  }
0xf: {  	[smem:$0x3FB5] =	sst s7  }
0x10: {  	[smem:$0x3FB6] =	sst s8  }
0x11: {  	[smem:$0x3FB7] =	sst s9;
	s0 =	simm.s32 @!p0 $0x0  }
0x12: {  	s1 =	sld [smem:$0x3F9D];
	s0 =	simm.s32 @p0 $0x1  }
0x13: {  	[smem:$0x3FB8] =	sst s0;
	s0 =	simm.s32 @!p1 $0x0  }
0x14: {  	s2 =	sld [smem:$0x3F9C];
	s0 =	simm.s32 @p1 $0x1  }
0x15: {  	[smem:$0x3FB9] =	sst s0;
	s0 =	simm.s32 @!p2 $0x0  }
0x16: {  	s3 =	sld [smem:$0x3FDB];
	s0 =	simm.s32 @p2 $0x1  }
0x17: {  	s4 =	simm.s32 $0x1BF5;
	[smem:$0x3FBB] =	sst s0  }
0x18: {  	s0 =	sld [smem:$0x3F9E];
	_ =	swait.ge [sflag:s4], $0x0  }
0x19: {  	s7 =	sld [smem:$0x3F9F]  }
0x1a: {  	s8 =	sadd.s32 $0xFFFFE003, lr  }
0x1b: {  	s9 =	sadd.s32 $0xFFFFFEF7, lr;
	s5 =	simm.s32 $0xFFFFFFFF;
	p2 =	slt.u32 s8, $0xFFFFF086  }
0x1c: {  	p1 =	slt.u32 s9, $0xF7A;
	s5 =	simm.s32 @!p2 $0x0  }
0x1d: {  	s5 =	simm.s32 @p1 $0x1;
	p0 =	seq.s32 s7, s2  }
0x1e: {  	s7 =	smul.u32 @!p0 $0xF7A, s2;
	p2 =	seq.s32 @!p0 s5, $0x0  }
0x1f: {  	s9 =	smul.u32 $0xF7A, s1;
	s8 =	simm.s32 @!p0 $0x1BF5;
	p2 =	por !p2, p0  }
0x20: {  	[sflag:s8] =	ssyncset.s32 @!p0 $0xFFFFF086;
	s6 =	sadd.s32 @!p0 s3, s7;
	s7 =	simm.s32 @!p0 $0x108  }
0x21: {  	s3 =	sadd.s32 s3, s9;
	s6 =	sadd.s32 @!p0 $0x88, s6;
	s7 =	simm.s32 @p2 $0x1082  }
0x22: {  	[simem:s7], [sflag:s8] =	dma.local @!p0 [hbm:s6], $0xF7A  }
0x23: {  	s9 =	sor.u32 $0xD0000000, s2;
	s6 =	simm.s32 $0x108;
	_ =	swait.ge @!p0 [sflag:s8], $0x0  }
0x24: {  	s3 =	sadd.s32 $0x88, s3;
	s6 =	simm.s32 @!p1 $0x1082;
	[sflag:s4] =	ssyncset.s32 $0xFFFFF086  }
0x25: {  	[simem:s6], [sflag:s4] =	dma.local [hbm:s3], $0xF7A  }
0x26: {  	[smem:$0x3F9F] =	sst s1;
	(tag) =	ssettag s2;
	_ =	strace s9  }
0x27: {  	s1 =	sld [smem:$0x3FAF]  }
0x28: {  	s2 =	sld [smem:$0x3FB0]  }
0x29: {  	s4 =	sld [smem:$0x3FB2]  }
0x2a: {  	p0 =	seq.s32 s5, $0x0;
	s5 =	sld [smem:$0x3FB3]  }
0x2b: {  	s6 =	sld [smem:$0x3FB4]  }
0x2c: {  	s7 =	sld [smem:$0x3FB5]  }
0x2d: {  	s3 =	simm.s32 $0x108;
	s8 =	sld [smem:$0x3FB6]  }
0x2e: {  	s3 =	simm.s32 @!p0 $0x1082;
	s9 =	sld [smem:$0x3FB7]  }
0x2f: {  	lr =	sadd.s32 s0, s3;
	s0 =	sld [smem:$0x3FAE]  }
0x30: {  	s3 =	sld [smem:$0x3FB1]  }
0x31: {  	[smem:$0x3FBA] =	sst s10  }
0x32: {  	s10 =	sld [smem:$0x3FB8];
	_ =	sdelay $0x3  }
0x33: {  	p0 =	seq.s32 s10, $0x1;
	s10 =	sld [smem:$0x3FBA];
	_ =	sdelay $0x3  }
0x34: {  	[smem:$0x3FBA] =	sst s10  }
0x35: {  	s10 =	sld [smem:$0x3FB9];
	_ =	sdelay $0x3  }
0x36: {  	p1 =	seq.s32 s10, $0x1;
	s10 =	sld [smem:$0x3FBA];
	_ =	sdelay $0x3  }
0x37: {  	[smem:$0x3FBA] =	sst s10  }
0x38: {  	s10 =	sld [smem:$0x3FBB]  }
0x39: {  	_ = 	snop;
	(pc) =	sbr.ind lr, $3  }
0x3a: {  	_ = 	snop  }
0x3b: {  	_ = 	snop  }
0x3c: {  	p2 =	seq.s32 s10, $0x1;
	s10 =	sld [smem:$0x3FBA]  }
0x3d: {  	_ =	shalt  }
0x3e: {  	_ =	shalt  }
0x3f: {  	_ =	shalt  }
0x40: {  	_ =	shalt  }
0x41: {  	_ =	shalt  }
0x42: {  	_ =	shalt  }
0x43: {  	_ =	shalt  }
0x44: {  	_ =	shalt  }
0x45: {  	_ =	shalt  }
0x46: {  	_ =	shalt  }
0x47: {  	_ =	shalt  }
0x48: {  	_ =	shalt  }
0x49: {  	_ =	shalt  }
0x4a: {  	_ =	shalt  }
0x4b: {  	_ =	shalt  }
0x4c: {  	_ =	shalt  }
0x4d: {  	_ =	shalt  }
0x4e: {  	_ =	shalt  }
0x4f: {  	_ =	shalt  }
0x50: {  	_ =	shalt  }
0x51: {  	_ =	shalt  }
0x52: {  	_ =	shalt  }
0x53: {  	_ =	shalt  }
0x54: {  	_ =	shalt  }
0x55: {  	_ =	shalt  }
0x56: {  	_ =	shalt  }
0x57: {  	_ =	shalt  }
0x58: {  	_ =	shalt  }
0x59: {  	_ =	shalt  }
0x5a: {  	_ =	shalt  }
0x5b: {  	_ =	shalt  }
0x5c: {  	_ =	shalt  }
0x5d: {  	_ =	shalt  }
0x5e: {  	_ =	shalt  }
0x5f: {  	_ =	shalt  }
0x60: {  	_ =	shalt  }
0x61: {  	_ =	shalt  }
0x62: {  	_ =	shalt  }
0x63: {  	_ =	shalt  }
0x64: {  	_ =	shalt  }
0x65: {  	_ =	shalt  }
0x66: {  	_ =	shalt  }
0x67: {  	_ =	shalt  }
0x68: {  	_ =	shalt  }
0x69: {  	_ =	shalt  }
0x6a: {  	_ =	shalt  }
0x6b: {  	_ =	shalt  }
0x6c: {  	_ =	shalt  }
0x6d: {  	_ =	shalt  }
0x6e: {  	_ =	shalt  }
0x6f: {  	_ =	shalt  }
0x70: {  	_ =	shalt  }
0x71: {  	_ =	shalt  }
0x72: {  	_ =	shalt  }
0x73: {  	_ =	shalt  }
0x74: {  	_ =	shalt  }
0x75: {  	_ =	shalt  }
0x76: {  	_ =	shalt  }
0x77: {  	_ =	shalt  }
0x78: {  	_ =	shalt  }
0x79: {  	_ =	shalt  }
0x7a: {  	_ =	shalt  }
0x7b: {  	_ =	shalt  }
0x7c: {  	_ =	shalt  }
0x7d: {  	_ =	shalt  }
0x7e: {  	_ =	shalt  }
0x7f: {  	_ =	shalt  }
0x80: {  	_ =	shalt  }
0x81: {  	_ =	shalt  }
0x82: {  	_ =	shalt  }
0x83: {  	_ =	shalt  }
0x84: {  	_ =	shalt  }
0x85: {  	_ =	shalt  }
0x86: {  	_ =	shalt  }
0x87: {  	_ =	shalt  }
.Lfunc_end0:
.L_simem_size_0:
called_computation.1_lowered:
.L_overlay_start_0:
0x88: {  	s2 =	sld [smem:$0x3FD9]  }
0x89: {  	s3 =	sld [smem:$0x3FFE];
	_ =	sdelay $0x1  }
0x8a: {  	s1 =	srdreg.scid  }
0x8b: {  	s0 =	sand.u32 $0x1, s1  }
0x8c: {  	s17 =	sshll.u32 s0, $0xA;
	s2 =	sadd.s32 s3, s2  }
0x8d: {  	s2 =	sadd.s32 s2, s17  }
0x8e: {  	[smem:$0x3FC6] =	sst s2  }
0x8f: {  	_ = 	snop  }
0x90: {  	s2 =	sld [smem:$0x3FD0];
	(tm) =	ssettm $0x1  }
0x91: {  	s18 =	sld [smem:$0x3FFB];
	_ =	sdelay $0x3  }
0x92: {  	_ =	strace s18  }
0x93: {  	s3 =	sld [smem:$0x3FFC];
	_ =	sdelay $0x3  }
0x94: {  	_ =	strace s3  }
0x95: {  	s3 =	sld [smem:$0x3FFD];
	_ =	sdelay $0x3  }
0x96: {  	_ =	strace s3  }
0x97: {  	_ =	strace $0x8FFFFFFF  }
0x98: {  	s19 =	sld [smem:$0x3FDB];
	_ =	sdelay $0x1  }
0x99: {  	s4 =	simm.s32 $_scs_section_size  }
0x9a: {  	s5 =	simm.s32 $_size__tile_overlayer_lowered;
	s6 =	simm.s32 $_tile_overlayer_lowered  }
0x9b: {  	s22 =	simm.s32 $0x1BFF;
	s21 =	sshll.u32 s6, $0x1;
	s3 =	sadd.s32 s4, s19  }
0x9c: {  	s7 =	simm.s32 $0x0;
	s20 =	sshll.u32 s5, $0x1;
	s5 =	sadd.s32 s21, s3  }
0x9d: {  	[timem:s7], [sflag:s22] =	dma.local [hbm:s5], s20  }
0x9e: {  	_ =	swait.ge [sflag:s22], s20  }
0x9f: {  	s4 =	ssub.s32 $0x0, s20;
	[sflag:s22] =	ssyncset.done $0x0  }
0xa0: {  	[sflag:s22] =	ssyncadd.s32 s4;
	_ =	sdelay $0x1  }
0xa1: {  	s23 =	simm.s32 $0x1B8B  }
0xa2: {  	_ =	swait.ge [sflag:s23], $0x1  }
0xa3: {  	[sflag:s23] =	ssyncset.done $0x0  }
0xa4: {  	s25 =	simm.s32 $0x1B8E;
	s24 =	sld [smem:$0x3FFE];
	[sflag:s23] =	ssyncadd.s32 $0xFFFFFFFF  }
0xa5: {  	s26 =	simm.s32 $execute0_lowered;
	[smem:$0x3FD2] =	sst s25  }
0xa6: {  	s5 =	sshll.u32 s26, $0x1;
	_ =	strace $0x80000046;
	[dreg:$0x1] =	wrdreg $0xFFFFFFFF  }
0xa7: {  	s28 =	simm.s32 $_size_execute0_lowered;
	s3 =	sadd.s32 s3, s5;
	[dreg:$0x0] =	wrdreg $0x0  }
0xa8: {  	s5 =	sshll.u32 s28, $0x1;
	[dreg:$0x2] =	wrdreg s3  }
0xa9: {  	[dreg:$0x3] =	wrdreg s5  }
0xaa: {  	[dreg:$0x4] =	wrdreg $0xC0  }
0xab: {  	_ =	task [dreg:s7], $0x5FFFF  }
0xac: {  	[dreg:$0x1] =	wrdreg $0xFFFFFFFF  }
0xad: {  	[dreg:$0x0] =	wrdreg $0x60  }
0xae: {  	[dreg:$0x2] =	wrdreg s24  }
0xaf: {  	[dreg:$0x3] =	wrdreg s2  }
0xb0: {  	[dreg:$0x4] =	wrdreg $0x9  }
0xb1: {  	_ =	task.clear_ibuf [dreg:s7], $0x5FFFF;
	_ =	strace $0x90000046  }
0xb2: {  	s29 =	simm.s32 $0x9;
	_ =	strace $0x80000048  }
0xb3: {  	_ =	swait.ge [sflag:s29], $0x1  }
0xb4: {  	[sflag:s29] =	ssyncadd.s32 $0xFFFFFFFF  }
0xb5: {  	_ =	strace $0x90000048  }
0xb6: {  	_ =	sfence  }
0xb7: {  	s30 =	sld [smem:$0x0];
	_ =	sdelay $0x2  }
0xb8: {  	s31 =	sshll.u32 s1, $0xD;
	s1 =	sshrl.u32 s1, $0x2  }
0xb9: {  	s3 =	sand.u32 $0x4000, s31;
	s1 =	sadd.s32 s1, s30  }
0xba: {  	s0 =	sor.u32 s3, s0;
	s1 =	sshll.u32 s1, $0x11  }
0xbb: {  	s0 =	sor.u32 s1, s0  }
0xbc: {  	s0 =	sadd.s32 $0x8F2B, s0  }
0xbd: {  	[sflag:s0] =	ssyncadd.remote.s32 $0x1  }
0xbe: {  	_ =	sfence.sel $0xFFFF  }
0xbf: {  	[dreg:$0x0] =	wrdreg $0xFFFFFFFF;
	(pc) =	sbr.abs _section_cstart, $3  }
0xc0: {  	[dreg:$0x1] =	wrdreg $0xFFFFFFFF  }
0xc1: {  	_ =	task.clear_ibuf [dreg:s7], $0x2FFFF;
	_ =	strace $0x9FFFFFFF  }
0xc2: {  	(tm) =	ssettm $0x7FFFFFFF  }
0xc3: {  	_ =	shalt  }
tec
execute0_lowered:
.L_overlay_start_1:
0x0: {  	(tag) =	ssettag $0x1  }
0x1: {  	s0 =	rddreg [dreg:$0x0]  }
0x2: {  	s1 =	rddreg [dreg:$0x1];
	s11 =	stileid.u32  }
0x3: {  	s2 =	srdreg.scid;
	s17 =	smul.u32 $0xC8000, s11  }
0x4: {  	s29 =	simm.s32 $0x190;
	s30 =	simm.s32 $0x4B0;
	s21 =	smul.u32 $0x1900, s11  }
0x5: {  	s31 =	simm.s32 $0x640;
	s5 =	sand.u32 $0x1, s2;
	s24 =	smul.u32 $0x640000, s11  }
0x6: {  	s28 =	simm.s32 $0x1;
	s2 =	simm.s32 $0x0;
	s19 =	smul.u32 $0x64000, s5  }
0x7: {  	s3 =	sshll.u32 s11, $0x8;
	s4 =	sshll.u32 s5, $0x7;
	s23 =	smul.u32 $0xC80, s5  }
0x8: {  	[smem:$0x7FF] =	sst s2;
	s16 =	ssub.s32 $0x2, s5;
	s5 =	smul.u32 $0x320000, s5  }
0x9: {  	s6 =	sor.u32 s4, s3;
	_ =	strace $0x80000047;
	[dreg:$0x3] =	wrdreg s29  }
0xa: {  	s3 =	sadd.s32 $0xF43000, s0;
	s4 =	sadd.s32 $0xA00, s0;
	[dreg:$0x4] =	wrdreg s30  }
0xb: {  	s8 =	sshrl.u32 s16, $0x1;
	[dreg:$0x5] =	wrdreg s31;
	s7 =	smul.u32 $0x6400, s6  }
0xc: {  	s6 =	smul.u32 $0x19, s6;
	s0 =	ssub.s32 s16, s8;
	s26 =	sadd.s32 s5, s24  }
0xd: {  	s8 =	sadd.s32 s17, s4;
	s0 =	smax.u32 s0, $0x1;
	[dreg:$0x10] =	wrdreg s26  }
0xe: {  	s25 =	sadd.s32 s19, s8;
	s7 =	sshrl.u32 s7, $0x3;
	[dreg:$0xe] =	wrdreg s0  }
0xf: {  	s6 =	sadd.s32 s1, s6;
	[dreg:$0xf] =	wrdreg s25;
	s7 =	sadd.s32 s4, s7  }
0x10: {  	s17 =	simm.s32 $0x11;
	[dreg:$0x6] =	wrdreg s6;
	s18 =	sadd.s32 $0x5E880, s7  }
0x11: {  	s24 =	simm.s32 $0x80;
	s9 =	sadd.s32 $0x5F500, s7;
	[dreg:$0x7] =	wrdreg s18  }
0x12: {  	s5 =	simm.s32 $0x0;
	s20 =	sadd.s32 $0x60180, s7;
	[dreg:$0x8] =	wrdreg s9  }
0x13: {  	s1 =	sadd.s32 s21, s1;
	s10 =	sadd.s32 $0x60E00, s7;
	[dreg:$0x9] =	wrdreg s20  }
0x14: {  	s21 =	simm.s32 $0x10040;
	s22 =	sadd.s32 $0x61A80, s7;
	[dreg:$0xa] =	wrdreg s10  }
0x15: {  	s25 =	simm.s32 $0x16440;
	s12 =	sadd.s32 $0x62700, s7;
	[dreg:$0xb] =	wrdreg s22  }
0x16: {  	s15 =	sadd.s32 s23, s1;
	s7 =	sadd.s32 $0x63380, s7;
	[dreg:$0xc] =	wrdreg s12  }
0x17: {  	s23 =	simm.s32 $0x40;
	[dreg:$0xd] =	wrdreg s7;
	s18 =	simm.s32 $0xC8  }
.LBB2_1:
0x18: {  	[dreg:$0x11] =	wrdreg s5  }
0x19: {  	s0 =	rddreg [dreg:$0x6]  }
0x1a: {  	[tilespmem:s2], [sflag:$0x11] =	stream.linear.gather [hbm4b:s0+s2], $0xC8, $0x38;
	[tilespmem:$0x19640] =	vst v63  }
0x1b: {  	p1 =	por $0x0, $0x0;
	_ =	swait.ge [sflag:s17], $0xC8  }
0x1c: {  	p0 =	por p1, p1;
	[sflag:s17] =	ssyncset.done $0x0  }
0x1d: {  	s0 =	simm.s32 @p0 $0x9;
	[sflag:s17] =	ssyncadd.s32 $0xFFFFFF38  }
0x1e: {  	_ =	swait.ge @p0 [sflag:s0], $0x3200  }
0x1f: {  	s5 =	simm.s32 @p0 $0x640;
	s6 =	simm.s32 @p0 $0x2;
	[sflag:s0] =	ssyncset.done @p0 $0x0  }
0x20: {  	s1 =	simm.s32 @p0 $0xC8;
	[sflag:s0] =	ssyncadd.s32 @p0 $0xFFFFCE00;
	s0 =	simm.s32 @p0 $0x0  }
0x21: {  	[tilespmem:s5], [sflag:$0x1] =	stream.indirect.gather @p0 [hbm4b:s3+s1], $0x40, s0, s1, $0xb8;
	[tilespmem:$0x19640] =	vst v63  }
0x22: {  	s13 =	rddreg [dreg:$0x10];
	_ =	swait.ge @p0 [sflag:s6], $0x3200  }
0x23: {  	s31 =	sadd.s32 $0x0, s15;
	s8 =	simm.s32 @!p0 $0x640;
	[sflag:s6] =	ssyncset.done @p0 $0x0  }
0x24: {  	s5 =	simm.s32 @!p0 $0xC8;
	[sflag:s6] =	ssyncadd.s32 @p0 $0xFFFFCE00;
	s6 =	simm.s32 @!p0 $0x0  }
0x25: {  	[tilespmem:s8], [sflag:$0x1] =	stream.indirect.gather @!p0 [hbm4b:s3+s5], $0x40, s6, s5, $0xb8;
	[tilespmem:$0x19640] =	vst v63  }
0x26: {  	s10 =	sadd.s32 $0x19, s31;
	s7 =	sadd.s32 @p1 $0xFFFD4400, s13  }
0x27: {  	[tilespmem:s18], [sflag:$0x11] =	stream.linear.gather [hbm4b:s10+s2], $0xC8, $0x38;
	[tilespmem:$0x19640] =	vst v63  }
0x28: {  	s9 =	simm.s32 @p0 $0x40;
	s6 =	sshrl.u32 @p1 s7, $0x3;
	_ =	swait.ge [sflag:s17], $0xC8  }
0x29: {  	s7 =	simm.s32 @p0 $0x3840;
	s8 =	simm.s32 @p0 $0xA;
	[sflag:s17] =	ssyncset.done $0x0  }
0x2a: {  	s6 =	sadd.s32 @p1 s4, s6;
	s10 =	simm.s32 @p0 $0x80;
	[sflag:s17] =	ssyncadd.s32 $0xFFFFFF38  }
0x2b: {  	[hbm4b:s6+s9] =	stream.strided.scatter @p0 [tilespmem:s7], [sflag:$0xA], $0x3200, s10, s9, $0x38;
	[tilespmem:$0x19640] =	vst v63  }
0x2c: {  	_ =	swait.ge @p0 [sflag:s8], $0x3200  }
0x2d: {  	[sflag:s8] =	ssyncset.done @p0 $0x0  }
0x2e: {  	s6 =	simm.s32 @p0 $0x3;
	[sflag:s8] =	ssyncadd.s32 @p0 $0xFFFFCE00  }
0x2f: {  	[tilespmem:s7], [sflag:$0x2] =	stream.indirect.gather @p0 [hbm4b:s3+s1], $0x40, s1, s1, $0xb8;
	[tilespmem:$0x19640] =	vst v63  }
0x30: {  	_ =	swait.ge @p0 [sflag:s6], $0x3200  }
0x31: {  	[sflag:s6] =	ssyncset.done @p0 $0x0  }
0x32: {  	[sflag:s6] =	ssyncadd.s32 @p0 $0xFFFFCE00;
	s6 =	simm.s32 @!p0 $0x3840  }
0x33: {  	[tilespmem:s6], [sflag:$0x2] =	stream.indirect.gather @!p0 [hbm4b:s3+s5], $0x40, s5, s5, $0xb8;
	[tilespmem:$0x19640] =	vst v63  }
0x34: {  	s12 =	sadd.s32 $0x32, s31;
	s11 =	rddreg [dreg:$0x3]  }
0x35: {  	[tilespmem:s11], [sflag:$0x11] =	stream.linear.gather [hbm4b:s12+s2], $0xC8, $0x38;
	[tilespmem:$0x19640] =	vst v63  }
0x36: {  	s6 =	sadd.s32 @p1 $0xFFFDA800, s13;
	_ =	swait.ge [sflag:s17], $0xC8  }
0x37: {  	s8 =	simm.s32 @p0 $0xB;
	s6 =	sshrl.u32 @p1 s6, $0x3;
	[sflag:s17] =	ssyncset.done $0x0  }
0x38: {  	s7 =	simm.s32 @p0 $0x6A40;
	s6 =	sadd.s32 @p1 s4, s6;
	[sflag:s17] =	ssyncadd.s32 $0xFFFFFF38  }
0x39: {  	[hbm4b:s6+s9] =	stream.strided.scatter @p0 [tilespmem:s7], [sflag:$0xB], $0x3200, s10, s9, $0x38;
	[tilespmem:$0x19640] =	vst v63  }
0x3a: {  	_ =	swait.ge @p0 [sflag:s8], $0x3200  }
0x3b: {  	[sflag:s8] =	ssyncset.done @p0 $0x0  }
0x3c: {  	s6 =	simm.s32 @p0 $0x190;
	[sflag:s8] =	ssyncadd.s32 @p0 $0xFFFFCE00;
	s8 =	simm.s32 @p0 $0x4  }
0x3d: {  	[tilespmem:s7], [sflag:$0x3] =	stream.indirect.gather @p0 [hbm4b:s3+s1], $0x40, s6, s1, $0xb8;
	[tilespmem:$0x19640] =	vst v63  }
0x3e: {  	_ =	swait.ge @p0 [sflag:s8], $0x3200  }
0x3f: {  	p1 =	por $0x1, $0x1;
	[sflag:s8] =	ssyncset.done @p0 $0x0  }
0x40: {  	s6 =	simm.s32 @!p0 $0x190;
	s7 =	simm.s32 @!p0 $0x6A40;
	[sflag:s8] =	ssyncadd.s32 @p0 $0xFFFFCE00  }
0x41: {  	[tilespmem:s7], [sflag:$0x3] =	stream.indirect.gather @!p0 [hbm4b:s3+s5], $0x40, s6, s5, $0xb8;
	[tilespmem:$0x19640] =	vst v63  }
0x42: {  	s14 =	sadd.s32 $0x4B, s31;
	s11 =	simm.s32 $0x258;
	s9 =	simm.s32 @!p1 $0x40  }
0x43: {  	[tilespmem:s11], [sflag:$0x11] =	stream.linear.gather [hbm4b:s14+s2], $0xC8, $0x38;
	[tilespmem:$0x19640] =	vst v63  }
0x44: {  	s10 =	simm.s32 @!p1 $0xC;
	s7 =	sadd.s32 @!p1 $0xFFFE0C00, s13;
	_ =	swait.ge [sflag:s17], $0xC8  }
0x45: {  	s8 =	simm.s32 @!p1 $0x80;
	s7 =	sshrl.u32 @!p1 s7, $0x3;
	[sflag:s17] =	ssyncset.done $0x0  }
0x46: {  	s6 =	simm.s32 @!p1 $0x9C40;
	s7 =	sadd.s32 @!p1 s4, s7;
	[sflag:s17] =	ssyncadd.s32 $0xFFFFFF38  }
0x47: {  	[hbm4b:s7+s9] =	stream.strided.scatter @!p1 [tilespmem:s6], [sflag:$0xC], $0x3200, s8, s9, $0x38;
	[tilespmem:$0x19640] =	vst v63  }
0x48: {  	_ =	swait.ge @!p1 [sflag:s10], $0x3200  }
0x49: {  	p2 =	por $0x1, $0x1;
	[sflag:s10] =	ssyncset.done @!p1 $0x0  }
0x4a: {  	s16 =	simm.s32 $0x9C40;
	s6 =	simm.s32 @!p2 $0x5;
	[sflag:s10] =	ssyncadd.s32 @!p1 $0xFFFFCE00  }
0x4b: {  	[tilespmem:s16], [sflag:$0x4] =	stream.indirect.gather [hbm4b:s3+s18], $0x40, s11, s18, $0xb8;
	[tilespmem:$0x19640] =	vst v63  }
0x4c: {  	_ =	swait.ge @!p2 [sflag:s6], $0x3200  }
0x4d: {  	s19 =	sadd.s32 $0x64, s31;
	[sflag:s6] =	ssyncset.done @!p2 $0x0  }
0x4e: {  	s14 =	simm.s32 $0x320;
	s7 =	sadd.s32 @!p2 $0xFFFE7000, s13;
	[sflag:s6] =	ssyncadd.s32 @!p2 $0xFFFFCE00  }
0x4f: {  	[tilespmem:s14], [sflag:$0x11] =	stream.linear.gather [hbm4b:s19+s2], $0xC8, $0x38;
	[tilespmem:$0x19640] =	vst v63  }
0x50: {  	s12 =	simm.s32 @!p1 $0xD;
	s7 =	sshrl.u32 @!p2 s7, $0x3;
	_ =	swait.ge [sflag:s17], $0xC8  }
0x51: {  	s10 =	simm.s32 @!p2 $0x40;
	s11 =	simm.s32 @!p2 $0x80;
	[sflag:s17] =	ssyncset.done $0x0  }
0x52: {  	s6 =	sadd.s32 @!p2 s4, s7;
	s7 =	simm.s32 @!p2 $0xCE40;
	[sflag:s17] =	ssyncadd.s32 $0xFFFFFF38  }
0x53: {  	[hbm4b:s6+s10] =	stream.strided.scatter @!p2 [tilespmem:s7], [sflag:$0xD], $0x3200, s11, s10, $0x38;
	[tilespmem:$0x19640] =	vst v63  }
0x54: {  	_ =	swait.ge @!p1 [sflag:s12], $0x3200  }
0x55: {  	p2 =	por $0x1, $0x1;
	[sflag:s12] =	ssyncset.done @!p1 $0x0  }
0x56: {  	s20 =	simm.s32 $0xCE40;
	s6 =	simm.s32 @!p2 $0x6;
	[sflag:s12] =	ssyncadd.s32 @!p1 $0xFFFFCE00  }
0x57: {  	[tilespmem:s20], [sflag:$0x5] =	stream.indirect.gather [hbm4b:s3+s18], $0x40, s14, s18, $0xb8;
	[tilespmem:$0x19640] =	vst v63  }
0x58: {  	_ =	swait.ge @!p2 [sflag:s6], $0x3200  }
0x59: {  	s26 =	simm.s32 $0x3E8;
	[sflag:s6] =	ssyncset.done @!p2 $0x0  }
0x5a: {  	s22 =	sadd.s32 $0x7D, s31;
	s7 =	sadd.s32 @!p2 $0xFFFED400, s13;
	[sflag:s6] =	ssyncadd.s32 @!p2 $0xFFFFCE00  }
0x5b: {  	[tilespmem:s26], [sflag:$0x11] =	stream.linear.gather [hbm4b:s22+s2], $0xC8, $0x38;
	[tilespmem:$0x19640] =	vst v63  }
0x5c: {  	s10 =	simm.s32 @!p2 $0x40;
	s11 =	simm.s32 @!p2 $0x80;
	_ =	swait.ge [sflag:s17], $0xC8  }
0x5d: {  	s7 =	sshrl.u32 @!p2 s7, $0x3;
	s12 =	simm.s32 @!p1 $0xE;
	[sflag:s17] =	ssyncset.done $0x0  }
0x5e: {  	s6 =	sadd.s32 @!p2 s4, s7;
	s7 =	simm.s32 @!p2 $0x10040;
	[sflag:s17] =	ssyncadd.s32 $0xFFFFFF38  }
0x5f: {  	[hbm4b:s6+s10] =	stream.strided.scatter @!p2 [tilespmem:s7], [sflag:$0xE], $0x3200, s11, s10, $0x38;
	[tilespmem:$0x19640] =	vst v63  }
0x60: {  	_ =	swait.ge @!p1 [sflag:s12], $0x3200  }
0x61: {  	p2 =	por $0x1, $0x1;
	[sflag:s12] =	ssyncset.done @!p1 $0x0  }
0x62: {  	s6 =	simm.s32 @!p2 $0x7;
	[sflag:s12] =	ssyncadd.s32 @!p1 $0xFFFFCE00  }
0x63: {  	[tilespmem:s21], [sflag:$0x6] =	stream.indirect.gather [hbm4b:s3+s18], $0x40, s26, s18, $0xb8;
	[tilespmem:$0x19640] =	vst v63  }
0x64: {  	_ =	swait.ge @!p2 [sflag:s6], $0x3200  }
0x65: {  	s30 =	sadd.s32 $0x96, s31;
	[sflag:s6] =	ssyncset.done @!p2 $0x0  }
0x66: {  	s10 =	sadd.s32 @!p2 $0xFFFF3800, s13;
	s29 =	rddreg [dreg:$0x4];
	[sflag:s6] =	ssyncadd.s32 @!p2 $0xFFFFCE00  }
0x67: {  	[tilespmem:s29], [sflag:$0x11] =	stream.linear.gather [hbm4b:s30+s2], $0xC8, $0x38;
	[tilespmem:$0x19640] =	vst v63  }
0x68: {  	s7 =	simm.s32 @!p2 $0x13240;
	s11 =	simm.s32 @!p2 $0x80;
	_ =	swait.ge [sflag:s17], $0xC8  }
0x69: {  	s10 =	sshrl.u32 @!p2 s10, $0x3;
	s12 =	simm.s32 @p0 $0xF;
	[sflag:s17] =	ssyncset.done $0x0  }
0x6a: {  	s6 =	sadd.s32 @!p2 s4, s10;
	s10 =	simm.s32 @!p2 $0x40;
	[sflag:s17] =	ssyncadd.s32 $0xFFFFFF38  }
0x6b: {  	[hbm4b:s6+s10] =	stream.strided.scatter @!p2 [tilespmem:s7], [sflag:$0xF], $0x3200, s11, s10, $0x38;
	[tilespmem:$0x19640] =	vst v63  }
0x6c: {  	_ =	swait.ge @p0 [sflag:s12], $0x3200  }
0x6d: {  	s6 =	simm.s32 @p0 $0x4B0;
	[sflag:s12] =	ssyncset.done @p0 $0x0  }
0x6e: {  	s7 =	simm.s32 @p0 $0x13240;
	s10 =	simm.s32 @p0 $0x8;
	[sflag:s12] =	ssyncadd.s32 @p0 $0xFFFFCE00  }
0x6f: {  	[tilespmem:s7], [sflag:$0x7] =	stream.indirect.gather @p0 [hbm4b:s3+s1], $0x40, s6, s1, $0xb8;
	[tilespmem:$0x19640] =	vst v63  }
0x70: {  	_ =	swait.ge @p0 [sflag:s10], $0x3200  }
0x71: {  	s0 =	sadd.s32 $0xAF, s31;
	[sflag:s10] =	ssyncset.done @p0 $0x0  }
0x72: {  	s1 =	simm.s32 @!p0 $0x4B0;
	s6 =	simm.s32 @!p0 $0x13240;
	[sflag:s10] =	ssyncadd.s32 @p0 $0xFFFFCE00  }
0x73: {  	[tilespmem:s6], [sflag:$0x7] =	stream.indirect.gather @!p0 [hbm4b:s3+s5], $0x40, s1, s5, $0xb8;
	[tilespmem:$0x19640] =	vst v63  }
0x74: {  	s31 =	simm.s32 $0x578;
	s12 =	simm.s32 $0x190;
	s7 =	sadd.s32 $0x32000, s13  }
0x75: {  	[tilespmem:s31], [sflag:$0x11] =	stream.linear.gather [hbm4b:s0+s2], $0xC8, $0x38;
	[tilespmem:$0x19640] =	vst v63  }
0x76: {  	s1 =	sadd.s32 @!p1 $0xFFFF9C00, s13;
	s6 =	simm.s32 $0xC8;
	_ =	swait.ge [sflag:s17], $0xC8  }
0x77: {  	s5 =	simm.s32 @!p1 $0x10;
	s0 =	sshrl.u32 @!p1 s1, $0x3;
	[sflag:s17] =	ssyncset.done $0x0  }
0x78: {  	s1 =	simm.s32 @!p1 $0x16440;
	s0 =	sadd.s32 @!p1 s4, s0;
	[sflag:s17] =	ssyncadd.s32 $0xFFFFFF38  }
0x79: {  	[hbm4b:s0+s9] =	stream.strided.scatter @!p1 [tilespmem:s1], [sflag:$0x10], $0x3200, s8, s9, $0x38;
	[tilespmem:$0x19640] =	vst v63  }
0x7a: {  	p0 =	por $0x1, $0x1;
	s13 =	sadd.s32 $0x32000, s7;
	_ =	swait.ge @!p1 [sflag:s5], $0x3200  }
0x7b: {  	s0 =	sadd.s32 @p0 $0xFFFD4400, s7;
	s1 =	sadd.s32 @p0 $0xFFFDA800, s7;
	[sflag:s5] =	ssyncset.done @!p1 $0x0  }
0x7c: {  	s0 =	sshrl.u32 @p0 s0, $0x3;
	s1 =	sshrl.u32 @p0 s1, $0x3;
	[sflag:s5] =	ssyncadd.s32 @!p1 $0xFFFFCE00  }
0x7d: {  	[tilespmem:s25], [sflag:$0x8] =	stream.indirect.gather [hbm4b:s3+s18], $0x40, s31, s18, $0xb8;
	[tilespmem:$0x19640] =	vst v63  }
0x7e: {  	s11 =	sadd.s32 @p0 s4, s0;
	p1 =	por $0x0, $0x0;
	_ =	swait.ge [sflag:s28], $0x3200  }
0x7f: {  	s5 =	sadd.s32 @!p1 $0x0, s15;
	s8 =	simm.s32 @!p1 $0x11;
	[sflag:s28] =	ssyncset.done $0x0  }
0x80: {  	s0 =	sadd.s32 @!p1 $0xC8, s5;
	s5 =	simm.s32 @!p1 $0x0;
	[sflag:s28] =	ssyncadd.s32 $0xFFFFCE00  }
0x81: {  	[tilespmem:s5], [sflag:$0x11] =	stream.linear.gather @!p1 [hbm4b:s0+s5], $0xC8, $0x38;
	[tilespmem:$0x19640] =	vst v63  }
0x82: {  	s9 =	simm.s32 $0xD;
	s10 =	sadd.s32 @p0 s4, s1;
	_ =	swait.ge @!p1 [sflag:s8], $0xC8  }
0x83: {  	p0 =	por p0, p0;
	[sflag:s8] =	ssyncset.done @!p1 $0x0;
	s14 =	rddreg [dreg:$0xf]  }
0x84: {  	s0 =	rddreg [dreg:$0x5];
	[sflag:s8] =	ssyncadd.s32 @!p1 $0xFFFFFF38;
	s8 =	sadd.s32 $0x6400, s14  }
.LBB2_2:
0x85: {  	p2 =	sne.s32 s12, $0x0;
	s1 =	simm.s32 @p0 $0x9  }
0x86: {  	[hbm4b:s14+s23] =	stream.strided.scatter [tilespmem:s0], [sflag:$0x9], $0x3200, s24, s23, $0x38;
	[tilespmem:$0x19640] =	vst v63  }
0x87: {  	s14 =	simm.s32 @p0 $0x640;
	s16 =	simm.s32 @p0 $0x2;
	_ =	swait.ge @p0 [sflag:s1], $0x3200  }
0x88: {  	s20 =	simm.s32 @p0 $0x0;
	s22 =	simm.s32 @!p0 $0x640;
	[sflag:s1] =	ssyncset.done @p0 $0x0  }
0x89: {  	s0 =	sadd.s32 @p2 $0xFFFD4400, s13;
	[sflag:s1] =	ssyncadd.s32 @p0 $0xFFFFCE00;
	s1 =	simm.s32 @p0 $0xC8  }
0x8a: {  	[tilespmem:s14], [sflag:$0x1] =	stream.indirect.gather @p0 [hbm4b:s3+s1], $0x40, s20, s1, $0xb8;
	[tilespmem:$0x19640] =	vst v63  }
0x8b: {  	s5 =	sadd.s32 @p2 $0xFFFDA800, s13;
	s14 =	sshrl.u32 @p2 s0, $0x3;
	_ =	swait.ge @p0 [sflag:s16], $0x3200  }
0x8c: {  	s20 =	sshrl.u32 @p2 s5, $0x3;
	s0 =	sadd.s32 s6, s15;
	[sflag:s16] =	ssyncset.done @p0 $0x0  }
0x8d: {  	s5 =	simm.s32 @!p0 $0xC8;
	[sflag:s16] =	ssyncadd.s32 @p0 $0xFFFFCE00;
	s16 =	simm.s32 @!p0 $0x0  }
0x8e: {  	[tilespmem:s22], [sflag:$0x1] =	stream.indirect.gather @!p0 [hbm4b:s3+s5], $0x40, s16, s5, $0xb8;
	[tilespmem:$0x19640] =	vst v63  }
0x8f: {  	s22 =	sadd.s32 $0x19, s0  }
0x90: {  	[tilespmem:s18], [sflag:$0x11] =	stream.linear.gather [hbm4b:s22+s2], $0xC8, $0x38;
	[tilespmem:$0x19640] =	vst v63  }
0x91: {  	_ =	swait.ge [sflag:s17], $0xC8  }
0x92: {  	s24 =	simm.s32 @p0 $0xA;
	s26 =	simm.s32 @p0 $0x40;
	[sflag:s17] =	ssyncset.done $0x0  }
0x93: {  	s29 =	simm.s32 @p0 $0x80;
	s22 =	simm.s32 @p0 $0x3840;
	[sflag:s17] =	ssyncadd.s32 $0xFFFFFF38  }
0x94: {  	[hbm4b:s11+s26] =	stream.strided.scatter @p0 [tilespmem:s22], [sflag:$0xA], $0x3200, s29, s26, $0x38;
	[tilespmem:$0x19640] =	vst v63  }
0x95: {  	_ =	swait.ge @p0 [sflag:s24], $0x3200  }
0x96: {  	s16 =	sadd.s32 @p2 s4, s14;
	[sflag:s24] =	ssyncset.done @p0 $0x0  }
0x97: {  	s11 =	smov.u32 s16;
	s16 =	simm.s32 @p0 $0x3;
	[sflag:s24] =	ssyncadd.s32 @p0 $0xFFFFCE00  }
0x98: {  	[tilespmem:s22], [sflag:$0x2] =	stream.indirect.gather @p0 [hbm4b:s3+s1], $0x40, s1, s1, $0xb8;
	[tilespmem:$0x19640] =	vst v63  }
0x99: {  	_ =	swait.ge @p0 [sflag:s16], $0x3200  }
0x9a: {  	[sflag:s16] =	ssyncset.done @p0 $0x0  }
0x9b: {  	[sflag:s16] =	ssyncadd.s32 @p0 $0xFFFFCE00;
	s16 =	simm.s32 @!p0 $0x3840  }
0x9c: {  	[tilespmem:s16], [sflag:$0x2] =	stream.indirect.gather @!p0 [hbm4b:s3+s5], $0x40, s5, s5, $0xb8;
	[tilespmem:$0x19640] =	vst v63  }
0x9d: {  	s24 =	sadd.s32 $0x32, s0;
	s23 =	rddreg [dreg:$0x3]  }
0x9e: {  	[tilespmem:s23], [sflag:$0x11] =	stream.linear.gather [hbm4b:s24+s2], $0xC8, $0x38;
	[tilespmem:$0x19640] =	vst v63  }
0x9f: {  	_ =	swait.ge [sflag:s17], $0xC8  }
0xa0: {  	[sflag:s17] =	ssyncset.done $0x0  }
0xa1: {  	s22 =	simm.s32 @p0 $0xB;
	s16 =	simm.s32 @p0 $0x6A40;
	[sflag:s17] =	ssyncadd.s32 $0xFFFFFF38  }
0xa2: {  	[hbm4b:s10+s26] =	stream.strided.scatter @p0 [tilespmem:s16], [sflag:$0xB], $0x3200, s29, s26, $0x38;
	[tilespmem:$0x19640] =	vst v63  }
0xa3: {  	s20 =	sadd.s32 @p2 s4, s20;
	_ =	swait.ge @p0 [sflag:s22], $0x3200  }
0xa4: {  	s10 =	smov.u32 s20;
	[sflag:s22] =	ssyncset.done @p0 $0x0  }
0xa5: {  	s20 =	simm.s32 @p0 $0x190;
	[sflag:s22] =	ssyncadd.s32 @p0 $0xFFFFCE00;
	s22 =	simm.s32 @p0 $0x4  }
0xa6: {  	[tilespmem:s16], [sflag:$0x3] =	stream.indirect.gather @p0 [hbm4b:s3+s1], $0x40, s20, s1, $0xb8;
	[tilespmem:$0x19640] =	vst v63  }
0xa7: {  	_ =	swait.ge @p0 [sflag:s22], $0x3200  }
0xa8: {  	p3 =	seq.s32 s6, $0x0;
	s19 =	simm.s32 $0x258;
	[sflag:s22] =	ssyncset.done @p0 $0x0  }
0xa9: {  	s16 =	simm.s32 @!p0 $0x190;
	s20 =	simm.s32 @!p0 $0x6A40;
	[sflag:s22] =	ssyncadd.s32 @p0 $0xFFFFCE00  }
0xaa: {  	[tilespmem:s20], [sflag:$0x3] =	stream.indirect.gather @!p0 [hbm4b:s3+s5], $0x40, s16, s5, $0xb8;
	[tilespmem:$0x19640] =	vst v63  }
0xab: {  	s30 =	sadd.s32 $0x4B, s0;
	s24 =	sadd.s32 @!p3 $0xFFFF9C00, s7;
	s29 =	simm.s32 @!p3 $0xC  }
0xac: {  	[tilespmem:s19], [sflag:$0x11] =	stream.linear.gather [hbm4b:s30+s2], $0xC8, $0x38;
	[tilespmem:$0x19640] =	vst v63  }
0xad: {  	s22 =	simm.s32 @!p3 $0x9C40;
	s20 =	sadd.s32 @!p3 $0xFFFE0C00, s7;
	_ =	swait.ge [sflag:s17], $0xC8  }
0xae: {  	s16 =	simm.s32 @!p3 $0x80;
	s20 =	sshrl.u32 @!p3 s20, $0x3;
	[sflag:s17] =	ssyncset.done $0x0  }
0xaf: {  	s26 =	sadd.s32 @!p3 s4, s20;
	s20 =	simm.s32 @!p3 $0x40;
	[sflag:s17] =	ssyncadd.s32 $0xFFFFFF38  }
0xb0: {  	[hbm4b:s26+s20] =	stream.strided.scatter @!p3 [tilespmem:s22], [sflag:$0xC], $0x3200, s16, s20, $0x38;
	[tilespmem:$0x19640] =	vst v63  }
0xb1: {  	s23 =	sadd.s32 $0xFFFFFFFE, s9;
	s24 =	sshrl.u32 @!p3 s24, $0x3;
	_ =	swait.ge @!p3 [sflag:s29], $0x3200  }
0xb2: {  	p4 =	slt.u32 s23, $0x7;
	s30 =	simm.s32 $0x9C40;
	[sflag:s29] =	ssyncset.done @!p3 $0x0  }
0xb3: {  	s22 =	sadd.s32 @!p3 s4, s24;
	s24 =	simm.s32 @!p4 $0x5;
	[sflag:s29] =	ssyncadd.s32 @!p3 $0xFFFFCE00  }
0xb4: {  	[tilespmem:s30], [sflag:$0x4] =	stream.indirect.gather [hbm4b:s3+s18], $0x40, s19, s18, $0xb8;
	[tilespmem:$0x19640] =	vst v63  }
0xb5: {  	_ =	swait.ge @!p4 [sflag:s24], $0x3200  }
0xb6: {  	s23 =	simm.s32 $0x320;
	s26 =	sadd.s32 @!p4 $0xFFFE7000, s7;
	[sflag:s24] =	ssyncset.done @!p4 $0x0  }
0xb7: {  	s26 =	sshrl.u32 @!p4 s26, $0x3;
	s19 =	sadd.s32 $0x64, s0;
	[sflag:s24] =	ssyncadd.s32 @!p4 $0xFFFFCE00  }
0xb8: {  	[tilespmem:s23], [sflag:$0x11] =	stream.linear.gather [hbm4b:s19+s2], $0xC8, $0x38;
	[tilespmem:$0x19640] =	vst v63  }
0xb9: {  	s26 =	sadd.s32 @!p4 s4, s26;
	_ =	swait.ge [sflag:s17], $0xC8  }
0xba: {  	s29 =	simm.s32 @!p4 $0x40;
	s30 =	simm.s32 @!p4 $0x80;
	[sflag:s17] =	ssyncset.done $0x0  }
0xbb: {  	s24 =	simm.s32 @!p4 $0xCE40;
	s19 =	simm.s32 @!p3 $0xD;
	[sflag:s17] =	ssyncadd.s32 $0xFFFFFF38  }
0xbc: {  	[hbm4b:s26+s29] =	stream.strided.scatter @!p4 [tilespmem:s24], [sflag:$0xD], $0x3200, s30, s29, $0x38;
	[tilespmem:$0x19640] =	vst v63  }
0xbd: {  	s29 =	sadd.s32 $0xFFFFFFFF, s9;
	_ =	swait.ge @!p3 [sflag:s19], $0x3200  }
0xbe: {  	p4 =	slt.u32 s29, $0x7;
	[sflag:s19] =	ssyncset.done @!p3 $0x0  }
0xbf: {  	s30 =	simm.s32 $0xCE40;
	[sflag:s19] =	ssyncadd.s32 @!p3 $0xFFFFCE00;
	s19 =	simm.s32 @!p4 $0x6  }
0xc0: {  	[tilespmem:s30], [sflag:$0x5] =	stream.indirect.gather [hbm4b:s3+s18], $0x40, s23, s18, $0xb8;
	[tilespmem:$0x19640] =	vst v63  }
0xc1: {  	_ =	swait.ge @!p4 [sflag:s19], $0x3200  }
0xc2: {  	s29 =	sadd.s32 $0x7D, s0;
	[sflag:s19] =	ssyncset.done @!p4 $0x0  }
0xc3: {  	s24 =	sadd.s32 @!p4 $0xFFFED400, s7;
	s23 =	simm.s32 $0x3E8;
	[sflag:s19] =	ssyncadd.s32 @!p4 $0xFFFFCE00  }
0xc4: {  	[tilespmem:s23], [sflag:$0x11] =	stream.linear.gather [hbm4b:s29+s2], $0xC8, $0x38;
	[tilespmem:$0x19640] =	vst v63  }
0xc5: {  	s26 =	simm.s32 @!p4 $0x40;
	s24 =	sshrl.u32 @!p4 s24, $0x3;
	_ =	swait.ge [sflag:s17], $0xC8  }
0xc6: {  	s24 =	sadd.s32 @!p4 s4, s24;
	s30 =	simm.s32 @!p3 $0xE;
	[sflag:s17] =	ssyncset.done $0x0  }
0xc7: {  	s19 =	simm.s32 @!p4 $0x10040;
	s29 =	simm.s32 @!p4 $0x80;
	[sflag:s17] =	ssyncadd.s32 $0xFFFFFF38  }
0xc8: {  	[hbm4b:s24+s26] =	stream.strided.scatter @!p4 [tilespmem:s19], [sflag:$0xE], $0x3200, s29, s26, $0x38;
	[tilespmem:$0x19640] =	vst v63  }
0xc9: {  	_ =	swait.ge @!p3 [sflag:s30], $0x3200  }
0xca: {  	p4 =	slt.u32 s9, $0x7;
	[sflag:s30] =	ssyncset.done @!p3 $0x0  }
0xcb: {  	s19 =	simm.s32 @!p4 $0x7;
	[sflag:s30] =	ssyncadd.s32 @!p3 $0xFFFFCE00  }
0xcc: {  	[tilespmem:s21], [sflag:$0x6] =	stream.indirect.gather [hbm4b:s3+s18], $0x40, s23, s18, $0xb8;
	[tilespmem:$0x19640] =	vst v63  }
0xcd: {  	_ =	swait.ge @!p4 [sflag:s19], $0x3200  }
0xce: {  	s29 =	sadd.s32 $0x96, s0;
	[sflag:s19] =	ssyncset.done @!p4 $0x0  }
0xcf: {  	s7 =	sadd.s32 @!p4 $0xFFFF3800, s7;
	s30 =	rddreg [dreg:$0x4];
	[sflag:s19] =	ssyncadd.s32 @!p4 $0xFFFFCE00  }
0xd0: {  	[tilespmem:s30], [sflag:$0x11] =	stream.linear.gather [hbm4b:s29+s2], $0xC8, $0x38;
	[tilespmem:$0x19640] =	vst v63  }
0xd1: {  	s26 =	simm.s32 @!p4 $0x40;
	s24 =	sshrl.u32 @!p4 s7, $0x3;
	_ =	swait.ge [sflag:s17], $0xC8  }
0xd2: {  	s24 =	sadd.s32 @!p4 s4, s24;
	s19 =	simm.s32 @!p4 $0x13240;
	[sflag:s17] =	ssyncset.done $0x0  }
0xd3: {  	s29 =	simm.s32 @!p4 $0x80;
	s30 =	simm.s32 @p0 $0xF;
	[sflag:s17] =	ssyncadd.s32 $0xFFFFFF38  }
0xd4: {  	[hbm4b:s24+s26] =	stream.strided.scatter @!p4 [tilespmem:s19], [sflag:$0xF], $0x3200, s29, s26, $0x38;
	[tilespmem:$0x19640] =	vst v63  }
0xd5: {  	_ =	swait.ge @p0 [sflag:s30], $0x3200  }
0xd6: {  	s19 =	simm.s32 @p0 $0x4B0;
	[sflag:s30] =	ssyncset.done @p0 $0x0  }
0xd7: {  	s24 =	simm.s32 @p0 $0x13240;
	s26 =	simm.s32 @p0 $0x8;
	[sflag:s30] =	ssyncadd.s32 @p0 $0xFFFFCE00  }
0xd8: {  	[tilespmem:s24], [sflag:$0x7] =	stream.indirect.gather @p0 [hbm4b:s3+s1], $0x40, s19, s1, $0xb8;
	[tilespmem:$0x19640] =	vst v63  }
0xd9: {  	_ =	swait.ge @p0 [sflag:s26], $0x3200  }
0xda: {  	[sflag:s26] =	ssyncset.done @p0 $0x0  }
0xdb: {  	s1 =	simm.s32 @!p0 $0x4B0;
	s19 =	simm.s32 @!p0 $0x13240;
	[sflag:s26] =	ssyncadd.s32 @p0 $0xFFFFCE00  }
0xdc: {  	[tilespmem:s19], [sflag:$0x7] =	stream.indirect.gather @!p0 [hbm4b:s3+s5], $0x40, s1, s5, $0xb8;
	[tilespmem:$0x19640] =	vst v63  }
0xdd: {  	s0 =	sadd.s32 $0xAF, s0;
	s30 =	simm.s32 $0x578  }
0xde: {  	[tilespmem:s30], [sflag:$0x11] =	stream.linear.gather [hbm4b:s0+s2], $0xC8, $0x38;
	[tilespmem:$0x19640] =	vst v63  }
0xdf: {  	_ =	swait.ge [sflag:s17], $0xC8  }
0xe0: {  	s31 =	smov.u32 s12;
	s12 =	sadd.s32 $0xC8, s12;
	[sflag:s17] =	ssyncset.done $0x0  }
0xe1: {  	s1 =	simm.s32 @!p3 $0x10;
	s0 =	simm.s32 @!p3 $0x16440;
	[sflag:s17] =	ssyncadd.s32 $0xFFFFFF38  }
0xe2: {  	[hbm4b:s22+s20] =	stream.strided.scatter @!p3 [tilespmem:s0], [sflag:$0x10], $0x3200, s16, s20, $0x38;
	[tilespmem:$0x19640] =	vst v63  }
0xe3: {  	p1 =	sne.s32 s12, $0xC80;
	_ =	swait.ge @!p3 [sflag:s1], $0x3200  }
0xe4: {  	s14 =	smov.u32 s8;
	s8 =	sadd.s32 $0x6400, s8;
	[sflag:s1] =	ssyncset.done @!p3 $0x0  }
0xe5: {  	p0 =	por p2, p2;
	p2 =	seq.s32 s6, $0xBB8;
	[sflag:s1] =	ssyncadd.s32 @!p3 $0xFFFFCE00  }
0xe6: {  	[tilespmem:s25], [sflag:$0x8] =	stream.indirect.gather [hbm4b:s3+s18], $0x40, s30, s18, $0xb8;
	[tilespmem:$0x19640] =	vst v63  }
0xe7: {  	s9 =	sadd.s32 $0x8, s9;
	s0 =	sadd.s32 @!p2 s6, s15;
	_ =	swait.ge [sflag:s28], $0x3200  }
0xe8: {  	s5 =	simm.s32 @!p2 $0x11;
	s0 =	sadd.s32 @!p2 $0xC8, s0;
	[sflag:s28] =	ssyncset.done $0x0  }
.Ltmp0:
0xe9: {  	s1 =	simm.s32 @!p2 $0x0;
	[sflag:s28] =	ssyncadd.s32 $0xFFFFCE00;
	(pc) =	sbr.rel @p1 .LBB2_2-.Ltmp0, $4  }
0xea: {  	[tilespmem:s1], [sflag:$0x11] =	stream.linear.gather @!p2 [hbm4b:s0+s1], $0xC8, $0x38;
	[tilespmem:$0x19640] =	vst v63  }
0xeb: {  	s7 =	smov.u32 s13;
	s13 =	sadd.s32 $0x32000, s13;
	_ =	swait.ge @!p2 [sflag:s5], $0xC8  }
0xec: {  	s23 =	simm.s32 $0x40;
	s24 =	simm.s32 $0x80;
	[sflag:s5] =	ssyncset.done @!p2 $0x0  }
0xed: {  	s6 =	smov.u32 s31;
	s0 =	rddreg [dreg:$0x5];
	[sflag:s5] =	ssyncadd.s32 @!p2 $0xFFFFFF38  }
0xee: {  	s1 =	simm.s32 @p0 $0x9  }
0xef: {  	[hbm4b:s14+s23] =	stream.strided.scatter [tilespmem:s0], [sflag:$0x9], $0x3200, s24, s23, $0x38;
	[tilespmem:$0x19640] =	vst v63  }
0xf0: {  	_ =	swait.ge @p0 [sflag:s1], $0x3200  }
0xf1: {  	s0 =	simm.s32 @p0 $0x640;
	s5 =	simm.s32 @p0 $0x2;
	[sflag:s1] =	ssyncset.done @p0 $0x0  }
0xf2: {  	s12 =	simm.s32 @p0 $0x0;
	[sflag:s1] =	ssyncadd.s32 @p0 $0xFFFFCE00;
	s1 =	simm.s32 @p0 $0xC8  }
0xf3: {  	[tilespmem:s0], [sflag:$0x1] =	stream.indirect.gather @p0 [hbm4b:s3+s1], $0x40, s12, s1, $0xb8;
	[tilespmem:$0x19640] =	vst v63  }
0xf4: {  	_ =	swait.ge @p0 [sflag:s5], $0x3200  }
0xf5: {  	s13 =	simm.s32 @!p0 $0x0;
	s12 =	simm.s32 @!p0 $0x640;
	[sflag:s5] =	ssyncset.done @p0 $0x0  }
0xf6: {  	s0 =	sadd.s32 s6, s15;
	[sflag:s5] =	ssyncadd.s32 @p0 $0xFFFFCE00;
	s5 =	simm.s32 @!p0 $0xC8  }
0xf7: {  	[tilespmem:s12], [sflag:$0x1] =	stream.indirect.gather @!p0 [hbm4b:s3+s5], $0x40, s13, s5, $0xb8;
	[tilespmem:$0x19640] =	vst v63  }
0xf8: {  	s30 =	sadd.s32 $0x19, s0  }
0xf9: {  	[tilespmem:s18], [sflag:$0x11] =	stream.linear.gather [hbm4b:s30+s2], $0xC8, $0x38;
	[tilespmem:$0x19640] =	vst v63  }
0xfa: {  	_ =	swait.ge [sflag:s17], $0xC8  }
0xfb: {  	s14 =	simm.s32 @p0 $0x40;
	s16 =	simm.s32 @p0 $0x80;
	[sflag:s17] =	ssyncset.done $0x0  }
0xfc: {  	s12 =	simm.s32 @p0 $0x3840;
	s13 =	simm.s32 @p0 $0xA;
	[sflag:s17] =	ssyncadd.s32 $0xFFFFFF38  }
0xfd: {  	[hbm4b:s11+s14] =	stream.strided.scatter @p0 [tilespmem:s12], [sflag:$0xA], $0x3200, s16, s14, $0x38;
	[tilespmem:$0x19640] =	vst v63  }
0xfe: {  	_ =	swait.ge @p0 [sflag:s13], $0x3200  }
0xff: {  	[sflag:s13] =	ssyncset.done @p0 $0x0  }
0x100: {  	s11 =	simm.s32 @p0 $0x3;
	[sflag:s13] =	ssyncadd.s32 @p0 $0xFFFFCE00  }
0x101: {  	[tilespmem:s12], [sflag:$0x2] =	stream.indirect.gather @p0 [hbm4b:s3+s1], $0x40, s1, s1, $0xb8;
	[tilespmem:$0x19640] =	vst v63  }
0x102: {  	_ =	swait.ge @p0 [sflag:s11], $0x3200  }
0x103: {  	[sflag:s11] =	ssyncset.done @p0 $0x0  }
0x104: {  	[sflag:s11] =	ssyncadd.s32 @p0 $0xFFFFCE00;
	s11 =	simm.s32 @!p0 $0x3840  }
0x105: {  	[tilespmem:s11], [sflag:$0x2] =	stream.indirect.gather @!p0 [hbm4b:s3+s5], $0x40, s5, s5, $0xb8;
	[tilespmem:$0x19640] =	vst v63  }
0x106: {  	s13 =	sadd.s32 $0x32, s0;
	s31 =	rddreg [dreg:$0x3]  }
0x107: {  	[tilespmem:s31], [sflag:$0x11] =	stream.linear.gather [hbm4b:s13+s2], $0xC8, $0x38;
	[tilespmem:$0x19640] =	vst v63  }
0x108: {  	_ =	swait.ge [sflag:s17], $0xC8  }
0x109: {  	[sflag:s17] =	ssyncset.done $0x0  }
0x10a: {  	s12 =	simm.s32 @p0 $0xB;
	s11 =	simm.s32 @p0 $0x6A40;
	[sflag:s17] =	ssyncadd.s32 $0xFFFFFF38  }
0x10b: {  	[hbm4b:s10+s14] =	stream.strided.scatter @p0 [tilespmem:s11], [sflag:$0xB], $0x3200, s16, s14, $0x38;
	[tilespmem:$0x19640] =	vst v63  }
0x10c: {  	_ =	swait.ge @p0 [sflag:s12], $0x3200  }
0x10d: {  	[sflag:s12] =	ssyncset.done @p0 $0x0  }
0x10e: {  	s10 =	simm.s32 @p0 $0x190;
	[sflag:s12] =	ssyncadd.s32 @p0 $0xFFFFCE00;
	s12 =	simm.s32 @p0 $0x4  }
0x10f: {  	[tilespmem:s11], [sflag:$0x3] =	stream.indirect.gather @p0 [hbm4b:s3+s1], $0x40, s10, s1, $0xb8;
	[tilespmem:$0x19640] =	vst v63  }
0x110: {  	_ =	swait.ge @p0 [sflag:s12], $0x3200  }
0x111: {  	p1 =	seq.s32 s6, $0x0;
	[sflag:s12] =	ssyncset.done @p0 $0x0  }
0x112: {  	s10 =	simm.s32 @!p0 $0x190;
	s11 =	simm.s32 @!p0 $0x6A40;
	[sflag:s12] =	ssyncadd.s32 @p0 $0xFFFFCE00  }
0x113: {  	[tilespmem:s11], [sflag:$0x3] =	stream.indirect.gather @!p0 [hbm4b:s3+s5], $0x40, s10, s5, $0xb8;
	[tilespmem:$0x19640] =	vst v63  }
0x114: {  	s20 =	simm.s32 $0x258;
	s19 =	sadd.s32 $0x4B, s0;
	s14 =	simm.s32 @!p1 $0xC  }
0x115: {  	[tilespmem:s20], [sflag:$0x11] =	stream.linear.gather [hbm4b:s19+s2], $0xC8, $0x38;
	[tilespmem:$0x19640] =	vst v63  }
0x116: {  	s12 =	simm.s32 @!p1 $0x9C40;
	s11 =	sadd.s32 @!p1 $0xFFFE0C00, s7;
	_ =	swait.ge [sflag:s17], $0xC8  }
0x117: {  	s10 =	simm.s32 @!p1 $0x80;
	s11 =	sshrl.u32 @!p1 s11, $0x3;
	[sflag:s17] =	ssyncset.done $0x0  }
0x118: {  	s13 =	sadd.s32 @!p1 s4, s11;
	s11 =	simm.s32 @!p1 $0x40;
	[sflag:s17] =	ssyncadd.s32 $0xFFFFFF38  }
0x119: {  	[hbm4b:s13+s11] =	stream.strided.scatter @!p1 [tilespmem:s12], [sflag:$0xC], $0x3200, s10, s11, $0x38;
	[tilespmem:$0x19640] =	vst v63  }
0x11a: {  	s21 =	sadd.s32 $0xFFFFFFFE, s9;
	_ =	swait.ge @!p1 [sflag:s14], $0x3200  }
0x11b: {  	p2 =	slt.u32 s21, $0x7;
	[sflag:s14] =	ssyncset.done @!p1 $0x0  }
0x11c: {  	s19 =	simm.s32 $0x9C40;
	s12 =	simm.s32 @!p2 $0x5;
	[sflag:s14] =	ssyncadd.s32 @!p1 $0xFFFFCE00  }
0x11d: {  	[tilespmem:s19], [sflag:$0x4] =	stream.indirect.gather [hbm4b:s3+s18], $0x40, s20, s18, $0xb8;
	[tilespmem:$0x19640] =	vst v63  }
0x11e: {  	_ =	swait.ge @!p2 [sflag:s12], $0x3200  }
0x11f: {  	[sflag:s12] =	ssyncset.done @!p2 $0x0  }
0x120: {  	s22 =	sadd.s32 $0x64, s0;
	s20 =	simm.s32 $0x320;
	[sflag:s12] =	ssyncadd.s32 @!p2 $0xFFFFCE00  }
0x121: {  	[tilespmem:s20], [sflag:$0x11] =	stream.linear.gather [hbm4b:s22+s2], $0xC8, $0x38;
	[tilespmem:$0x19640] =	vst v63  }
0x122: {  	s16 =	simm.s32 @!p2 $0x80;
	s13 =	sadd.s32 @!p2 $0xFFFE7000, s7;
	_ =	swait.ge [sflag:s17], $0xC8  }
0x123: {  	s14 =	simm.s32 @!p2 $0x40;
	s12 =	sshrl.u32 @!p2 s13, $0x3;
	[sflag:s17] =	ssyncset.done $0x0  }
0x124: {  	s13 =	simm.s32 @!p2 $0xCE40;
	s12 =	sadd.s32 @!p2 s4, s12;
	[sflag:s17] =	ssyncadd.s32 $0xFFFFFF38  }
0x125: {  	[hbm4b:s12+s14] =	stream.strided.scatter @!p2 [tilespmem:s13], [sflag:$0xD], $0x3200, s16, s14, $0x38;
	[tilespmem:$0x19640] =	vst v63  }
0x126: {  	s12 =	simm.s32 @!p1 $0xD  }
0x127: {  	s25 =	sadd.s32 $0xFFFFFFFF, s9;
	_ =	swait.ge @!p1 [sflag:s12], $0x3200  }
0x128: {  	p2 =	slt.u32 s25, $0x7;
	[sflag:s12] =	ssyncset.done @!p1 $0x0  }
0x129: {  	s22 =	simm.s32 $0xCE40;
	[sflag:s12] =	ssyncadd.s32 @!p1 $0xFFFFCE00;
	s12 =	simm.s32 @!p2 $0x6  }
0x12a: {  	[tilespmem:s22], [sflag:$0x5] =	stream.indirect.gather [hbm4b:s3+s18], $0x40, s20, s18, $0xb8;
	[tilespmem:$0x19640] =	vst v63  }
0x12b: {  	_ =	swait.ge @!p2 [sflag:s12], $0x3200  }
0x12c: {  	[sflag:s12] =	ssyncset.done @!p2 $0x0  }
0x12d: {  	s29 =	simm.s32 $0x3E8;
	s26 =	sadd.s32 $0x7D, s0;
	[sflag:s12] =	ssyncadd.s32 @!p2 $0xFFFFCE00  }
0x12e: {  	[tilespmem:s29], [sflag:$0x11] =	stream.linear.gather [hbm4b:s26+s2], $0xC8, $0x38;
	[tilespmem:$0x19640] =	vst v63  }
0x12f: {  	s13 =	sadd.s32 @!p2 $0xFFFED400, s7;
	s14 =	simm.s32 @!p2 $0x40;
	_ =	swait.ge [sflag:s17], $0xC8  }
0x130: {  	s16 =	simm.s32 @!p2 $0x80;
	s12 =	sshrl.u32 @!p2 s13, $0x3;
	[sflag:s17] =	ssyncset.done $0x0  }
0x131: {  	s13 =	simm.s32 @!p2 $0x10040;
	s12 =	sadd.s32 @!p2 s4, s12;
	[sflag:s17] =	ssyncadd.s32 $0xFFFFFF38  }
0x132: {  	[hbm4b:s12+s14] =	stream.strided.scatter @!p2 [tilespmem:s13], [sflag:$0xE], $0x3200, s16, s14, $0x38;
	[tilespmem:$0x19640] =	vst v63  }
0x133: {  	s12 =	simm.s32 @!p1 $0xE  }
0x134: {  	_ =	swait.ge @!p1 [sflag:s12], $0x3200  }
0x135: {  	p2 =	slt.u32 s9, $0x7;
	[sflag:s12] =	ssyncset.done @!p1 $0x0  }
0x136: {  	s16 =	simm.s32 $0x10040;
	s9 =	simm.s32 @!p2 $0x7;
	[sflag:s12] =	ssyncadd.s32 @!p1 $0xFFFFCE00  }
0x137: {  	[tilespmem:s16], [sflag:$0x6] =	stream.indirect.gather [hbm4b:s3+s18], $0x40, s29, s18, $0xb8;
	[tilespmem:$0x19640] =	vst v63  }
0x138: {  	_ =	swait.ge @!p2 [sflag:s9], $0x3200  }
0x139: {  	[sflag:s9] =	ssyncset.done @!p2 $0x0  }
0x13a: {  	s31 =	sadd.s32 $0x96, s0;
	s30 =	rddreg [dreg:$0x4];
	[sflag:s9] =	ssyncadd.s32 @!p2 $0xFFFFCE00  }
0x13b: {  	[tilespmem:s30], [sflag:$0x11] =	stream.linear.gather [hbm4b:s31+s2], $0xC8, $0x38;
	[tilespmem:$0x19640] =	vst v63  }
0x13c: {  	s13 =	sadd.s32 @!p2 $0xFFFF3800, s7;
	s14 =	simm.s32 @!p2 $0x80;
	_ =	swait.ge [sflag:s17], $0xC8  }
0x13d: {  	s12 =	simm.s32 @!p2 $0x13240;
	s9 =	sshrl.u32 @!p2 s13, $0x3;
	[sflag:s17] =	ssyncset.done $0x0  }
0x13e: {  	s13 =	simm.s32 @!p2 $0x40;
	s9 =	sadd.s32 @!p2 s4, s9;
	[sflag:s17] =	ssyncadd.s32 $0xFFFFFF38  }
0x13f: {  	[hbm4b:s9+s13] =	stream.strided.scatter @!p2 [tilespmem:s12], [sflag:$0xF], $0x3200, s14, s13, $0x38;
	[tilespmem:$0x19640] =	vst v63  }
0x140: {  	s9 =	simm.s32 @p0 $0xF  }
0x141: {  	_ =	swait.ge @p0 [sflag:s9], $0x3200  }
0x142: {  	[sflag:s9] =	ssyncset.done @p0 $0x0  }
0x143: {  	s12 =	simm.s32 @p0 $0x4B0;
	[sflag:s9] =	ssyncadd.s32 @p0 $0xFFFFCE00;
	s9 =	simm.s32 @p0 $0x13240  }
0x144: {  	[tilespmem:s9], [sflag:$0x7] =	stream.indirect.gather @p0 [hbm4b:s3+s1], $0x40, s12, s1, $0xb8;
	[tilespmem:$0x19640] =	vst v63  }
0x145: {  	s1 =	simm.s32 @p0 $0x8  }
0x146: {  	_ =	swait.ge @p0 [sflag:s1], $0x3200  }
0x147: {  	[sflag:s1] =	ssyncset.done @p0 $0x0  }
0x148: {  	s9 =	simm.s32 @!p0 $0x4B0;
	[sflag:s1] =	ssyncadd.s32 @p0 $0xFFFFCE00;
	s1 =	simm.s32 @!p0 $0x13240  }
0x149: {  	[tilespmem:s1], [sflag:$0x7] =	stream.indirect.gather @!p0 [hbm4b:s3+s5], $0x40, s9, s5, $0xb8;
	[tilespmem:$0x19640] =	vst v63  }
0x14a: {  	s0 =	sadd.s32 $0xAF, s0;
	s9 =	simm.s32 $0x578  }
0x14b: {  	[tilespmem:s9], [sflag:$0x11] =	stream.linear.gather [hbm4b:s0+s2], $0xC8, $0x38;
	[tilespmem:$0x19640] =	vst v63  }
0x14c: {  	s0 =	sadd.s32 @!p1 $0xFFFF9C00, s7;
	_ =	swait.ge [sflag:s17], $0xC8  }
0x14d: {  	s0 =	sshrl.u32 @!p1 s0, $0x3;
	[sflag:s17] =	ssyncset.done $0x0  }
0x14e: {  	s1 =	simm.s32 @!p1 $0x16440;
	s0 =	sadd.s32 @!p1 s4, s0;
	[sflag:s17] =	ssyncadd.s32 $0xFFFFFF38  }
0x14f: {  	[hbm4b:s0+s11] =	stream.strided.scatter @!p1 [tilespmem:s1], [sflag:$0x10], $0x3200, s10, s11, $0x38;
	[tilespmem:$0x19640] =	vst v63  }
0x150: {  	s0 =	simm.s32 @!p1 $0x10  }
0x151: {  	_ =	swait.ge @!p1 [sflag:s0], $0x3200  }
0x152: {  	[sflag:s0] =	ssyncset.done @!p1 $0x0  }
0x153: {  	s7 =	simm.s32 $0x16440;
	[sflag:s0] =	ssyncadd.s32 @!p1 $0xFFFFCE00  }
0x154: {  	[tilespmem:s7], [sflag:$0x8] =	stream.indirect.gather [hbm4b:s3+s18], $0x40, s9, s18, $0xb8;
	[tilespmem:$0x19640] =	vst v63  }
0x155: {  	p0 =	seq.s32 s6, $0xBB8;
	_ =	swait.ge [sflag:s28], $0x3200  }
0x156: {  	s0 =	sadd.s32 @!p0 s6, s15;
	[sflag:s28] =	ssyncset.done $0x0  }
0x157: {  	s1 =	simm.s32 @!p0 $0x0;
	s0 =	sadd.s32 @!p0 $0xC8, s0;
	[sflag:s28] =	ssyncadd.s32 $0xFFFFCE00  }
0x158: {  	[tilespmem:s1], [sflag:$0x11] =	stream.linear.gather @!p0 [hbm4b:s0+s1], $0xC8, $0x38;
	[tilespmem:$0x19640] =	vst v63  }
0x159: {  	s0 =	simm.s32 @!p0 $0x11  }
0x15a: {  	_ =	swait.ge @!p0 [sflag:s0], $0xC8  }
0x15b: {  	[sflag:s0] =	ssyncset.done @!p0 $0x0  }
0x15c: {  	s13 =	simm.s32 $0x2;
	s12 =	rddreg [dreg:$0x5];
	[sflag:s0] =	ssyncadd.s32 @!p0 $0xFFFFFF38  }
0x15d: {  	[hbm4b:s8+s23] =	stream.strided.scatter [tilespmem:s12], [sflag:$0x9], $0x3200, s24, s23, $0x38;
	[tilespmem:$0x19640] =	vst v63  }
0x15e: {  	_ =	swait.ge [sflag:s13], $0x3200  }
0x15f: {  	s21 =	simm.s32 $0x3;
	[sflag:s13] =	ssyncset.done $0x0  }
0x160: {  	s20 =	simm.s32 $0x3840;
	s14 =	rddreg [dreg:$0x7];
	[sflag:s13] =	ssyncadd.s32 $0xFFFFCE00  }
0x161: {  	[hbm4b:s14+s23] =	stream.strided.scatter [tilespmem:s20], [sflag:$0xA], $0x3200, s24, s23, $0x38;
	[tilespmem:$0x19640] =	vst v63  }
0x162: {  	_ =	swait.ge [sflag:s21], $0x3200  }
0x163: {  	s26 =	simm.s32 $0x6A40;
	[sflag:s21] =	ssyncset.done $0x0  }
0x164: {  	s29 =	simm.s32 $0x4;
	s25 =	rddreg [dreg:$0x8];
	[sflag:s21] =	ssyncadd.s32 $0xFFFFCE00  }
0x165: {  	[hbm4b:s25+s23] =	stream.strided.scatter [tilespmem:s26], [sflag:$0xB], $0x3200, s24, s23, $0x38;
	[tilespmem:$0x19640] =	vst v63  }
0x166: {  	_ =	swait.ge [sflag:s29], $0x3200  }
0x167: {  	[sflag:s29] =	ssyncset.done $0x0  }
0x168: {  	s31 =	simm.s32 $0x5;
	s30 =	rddreg [dreg:$0x9];
	[sflag:s29] =	ssyncadd.s32 $0xFFFFCE00  }
0x169: {  	[hbm4b:s30+s23] =	stream.strided.scatter [tilespmem:s19], [sflag:$0xC], $0x3200, s24, s23, $0x38;
	[tilespmem:$0x19640] =	vst v63  }
0x16a: {  	_ =	swait.ge [sflag:s31], $0x3200  }
0x16b: {  	[sflag:s31] =	ssyncset.done $0x0  }
0x16c: {  	s5 =	simm.s32 $0x6;
	s1 =	rddreg [dreg:$0xa];
	[sflag:s31] =	ssyncadd.s32 $0xFFFFCE00  }
0x16d: {  	[hbm4b:s1+s23] =	stream.strided.scatter [tilespmem:s22], [sflag:$0xD], $0x3200, s24, s23, $0x38;
	[tilespmem:$0x19640] =	vst v63  }
0x16e: {  	_ =	swait.ge [sflag:s5], $0x3200  }
0x16f: {  	[sflag:s5] =	ssyncset.done $0x0  }
0x170: {  	s8 =	simm.s32 $0x7;
	s6 =	rddreg [dreg:$0xb];
	[sflag:s5] =	ssyncadd.s32 $0xFFFFCE00  }
0x171: {  	[hbm4b:s6+s23] =	stream.strided.scatter [tilespmem:s16], [sflag:$0xE], $0x3200, s24, s23, $0x38;
	[tilespmem:$0x19640] =	vst v63  }
0x172: {  	_ =	swait.ge [sflag:s8], $0x3200  }
0x173: {  	s10 =	simm.s32 $0x13240;
	[sflag:s8] =	ssyncset.done $0x0  }
0x174: {  	s11 =	simm.s32 $0x8;
	s9 =	rddreg [dreg:$0xc];
	[sflag:s8] =	ssyncadd.s32 $0xFFFFCE00  }
0x175: {  	[hbm4b:s9+s23] =	stream.strided.scatter [tilespmem:s10], [sflag:$0xF], $0x3200, s24, s23, $0x38;
	[tilespmem:$0x19640] =	vst v63  }
0x176: {  	_ =	swait.ge [sflag:s11], $0x3200  }
0x177: {  	[sflag:s11] =	ssyncset.done $0x0  }
0x178: {  	s13 =	simm.s32 $0x9;
	s12 =	rddreg [dreg:$0xd];
	[sflag:s11] =	ssyncadd.s32 $0xFFFFCE00  }
0x179: {  	[hbm4b:s12+s23] =	stream.strided.scatter [tilespmem:s7], [sflag:$0x10], $0x3200, s24, s23, $0x38;
	[tilespmem:$0x19640] =	vst v63  }
0x17a: {  	_ =	swait.ge [sflag:s13], $0x3200  }
0x17b: {  	[sflag:s13] =	ssyncset.done $0x0  }
0x17c: {  	s14 =	simm.s32 $0xA;
	[sflag:s13] =	ssyncadd.s32 $0xFFFFCE00  }
0x17d: {  	_ =	swait.ge [sflag:s14], $0x3200  }
0x17e: {  	[sflag:s14] =	ssyncset.done $0x0  }
0x17f: {  	s16 =	simm.s32 $0xB;
	[sflag:s14] =	ssyncadd.s32 $0xFFFFCE00  }
0x180: {  	_ =	swait.ge [sflag:s16], $0x3200  }
0x181: {  	[sflag:s16] =	ssyncset.done $0x0  }
0x182: {  	s19 =	simm.s32 $0xC;
	[sflag:s16] =	ssyncadd.s32 $0xFFFFCE00  }
0x183: {  	_ =	swait.ge [sflag:s19], $0x3200  }
0x184: {  	[sflag:s19] =	ssyncset.done $0x0  }
0x185: {  	s20 =	simm.s32 $0xD;
	[sflag:s19] =	ssyncadd.s32 $0xFFFFCE00  }
0x186: {  	_ =	swait.ge [sflag:s20], $0x3200  }
0x187: {  	[sflag:s20] =	ssyncset.done $0x0  }
0x188: {  	s22 =	simm.s32 $0xE;
	[sflag:s20] =	ssyncadd.s32 $0xFFFFCE00  }
0x189: {  	_ =	swait.ge [sflag:s22], $0x3200  }
0x18a: {  	[sflag:s22] =	ssyncset.done $0x0  }
0x18b: {  	s26 =	simm.s32 $0xF;
	[sflag:s22] =	ssyncadd.s32 $0xFFFFCE00  }
0x18c: {  	_ =	swait.ge [sflag:s26], $0x3200  }
0x18d: {  	[sflag:s26] =	ssyncset.done $0x0  }
0x18e: {  	s29 =	simm.s32 $0x10;
	[sflag:s26] =	ssyncadd.s32 $0xFFFFCE00  }
0x18f: {  	_ =	swait.ge [sflag:s29], $0x3200  }
0x190: {  	s30 =	rddreg [dreg:$0x11]  }
0x191: {  	s31 =	rddreg [dreg:$0xe];
	s5 =	sadd.s32 $0x1, s30  }
0x192: {  	p0 =	sne.s32 s5, s31  }
.Ltmp1:
0x193: {  	_ = 	snop;
	(pc) =	sbr.rel @p0 .LBB2_1-.Ltmp1, $3  }
0x194: {  	_ =	sdelay $0x1  }
0x195: {  	[sflag:s29] =	ssyncset.done $0x0  }
0x196: {  	s21 =	simm.s32 $0x10040;
	s25 =	simm.s32 $0x16440;
	[sflag:s29] =	ssyncadd.s32 $0xFFFFCE00  }
0x197: {  	_ =	sfence.sel $0x180000  }
0x198: {  	[bflag:$0x0] =	sbarrier.arrive $0xFFFF  }
0x199: {  	_ =	strace $0x90000047  }
0x19a: {  	s0 =	stileid.u32;
	[bflag:$0x2] =	sbarrier.arrive $0xFFFF  }
0x19b: {  	p0 =	sne.s32 s0, $0x0;
	s0 =	rddreg [dreg:$0x2]  }
0x19c: {  	s0 =	sadd.s32 @!p0 $0x100000, s0  }
0x19d: {  	[sflag:s0] =	ssyncadd.tile.s32 @!p0 $0x1;
	_ =	shalt  }
.Lfunc_end2:
_tile_overlayer_lowered:
.L_overlay_start_2:
0x19e: {  	(tag) =	ssettag $0x2  }
0x19f: {  	s0 =	rddreg [dreg:$0x0];
	s2 =	stileid.u32  }
0x1a0: {  	s1 =	rddreg [dreg:$0x1];
	p0 =	sne.s32 s2, $0x0  }
0x1a1: {  	s3 =	rddreg [dreg:$0x2];
	[bflag:$0x3] =	sbarrier.arrive $0xFFFF;
	s2 =	simm.s32 @!p0 $0x1C11  }
0x1a2: {  	[timem:s3], [sflag:s2] =	dma.local @!p0 [hbm:s0], s1  }
0x1a3: {  	s0 =	simm.s32 @!p0 $0x11  }
0x1a4: {  	_ =	swait.ge @!p0 [sflag:s0], s1  }
0x1a5: {  	s1 =	ssub.s32 @!p0 $0x0, s1;
	[sflag:s0] =	ssyncset.done @!p0 $0x0  }
0x1a6: {  	[sflag:s0] =	ssyncadd.s32 @!p0 s1  }
0x1a7: {  	[bflag:$0x3] =	sbarrier.arrive $0xFFFF  }
0x1a8: {  	_ =	shalt  }

// kernel: sparse-core-data-format-call.cloned.1.call-start
scs
called_computation_lowered:
.L_overlay_start_0:
0x0: {  	s2 =	sld [smem:$0x3FD9]  }
0x1: {  	s3 =	sld [smem:$0x3FFE];
	_ =	sdelay $0x1  }
0x2: {  	s1 =	srdreg.scid  }
0x3: {  	s0 =	sand.u32 $0x1, s1  }
0x4: {  	s18 =	sshll.u32 s0, $0xA;
	s2 =	sadd.s32 s3, s2  }
0x5: {  	s2 =	sadd.s32 s2, s18  }
0x6: {  	[smem:$0x3FC6] =	sst s2  }
0x7: {  	_ = 	snop  }
0x8: {  	s2 =	sld [smem:$0x3FD0];
	(tm) =	ssettm $0x1  }
0x9: {  	s19 =	sld [smem:$0x3FFB];
	_ =	sdelay $0x3  }
0xa: {  	_ =	strace s19  }
0xb: {  	s3 =	sld [smem:$0x3FFC];
	_ =	sdelay $0x3  }
0xc: {  	_ =	strace s3  }
0xd: {  	s3 =	sld [smem:$0x3FFD];
	_ =	sdelay $0x3  }
0xe: {  	_ =	strace s3  }
0xf: {  	_ =	strace $0x8FFFFFFF  }
0x10: {  	s20 =	sld [smem:$0x3FDB];
	_ =	sdelay $0x1  }
0x11: {  	s4 =	simm.s32 $_scs_section_size  }
0x12: {  	s5 =	simm.s32 $_size__tile_overlayer_lowered;
	s6 =	simm.s32 $_tile_overlayer_lowered  }
0x13: {  	s23 =	simm.s32 $0x1BFF;
	s22 =	sshll.u32 s6, $0x1;
	s3 =	sadd.s32 s4, s20  }
0x14: {  	s7 =	simm.s32 $0x0;
	s21 =	sshll.u32 s5, $0x1;
	s5 =	sadd.s32 s22, s3  }
0x15: {  	[timem:s7], [sflag:s23] =	dma.local [hbm:s5], s21  }
0x16: {  	_ =	swait.ge [sflag:s23], s21  }
0x17: {  	s4 =	ssub.s32 $0x0, s21;
	[sflag:s23] =	ssyncset.done $0x0  }
0x18: {  	[sflag:s23] =	ssyncadd.s32 s4;
	_ =	sdelay $0x1  }
0x19: {  	s24 =	simm.s32 $0x1B8B  }
0x1a: {  	_ =	swait.ge [sflag:s24], $0x1  }
0x1b: {  	[sflag:s24] =	ssyncset.done $0x0  }
0x1c: {  	s26 =	simm.s32 $0x1B8E;
	s25 =	sld [smem:$0x3FFE];
	[sflag:s24] =	ssyncadd.s32 $0xFFFFFFFF  }
0x1d: {  	s27 =	simm.s32 $execute0_lowered;
	[smem:$0x3FD2] =	sst s26  }
0x1e: {  	s5 =	sshll.u32 s27, $0x1;
	_ =	strace $0x80000049;
	[dreg:$0x1] =	wrdreg $0xFFFFFFFF  }
0x1f: {  	s28 =	simm.s32 $_size_execute0_lowered;
	s3 =	sadd.s32 s3, s5;
	[dreg:$0x0] =	wrdreg $0x0  }
0x20: {  	s5 =	sshll.u32 s28, $0x1;
	[dreg:$0x2] =	wrdreg s3  }
0x21: {  	[dreg:$0x3] =	wrdreg s5  }
0x22: {  	[dreg:$0x4] =	wrdreg $0xC0  }
0x23: {  	_ =	task [dreg:s7], $0x5FFFF  }
0x24: {  	[dreg:$0x1] =	wrdreg $0xFFFFFFFF  }
0x25: {  	[dreg:$0x0] =	wrdreg $0x60  }
0x26: {  	[dreg:$0x2] =	wrdreg s25  }
0x27: {  	[dreg:$0x3] =	wrdreg s2  }
0x28: {  	[dreg:$0x4] =	wrdreg $0x9  }
0x29: {  	_ =	task.clear_ibuf [dreg:s7], $0x5FFFF;
	_ =	strace $0x90000049  }
0x2a: {  	s29 =	simm.s32 $0x9;
	_ =	strace $0x8000004B  }
0x2b: {  	_ =	swait.ge [sflag:s29], $0x1  }
0x2c: {  	[sflag:s29] =	ssyncadd.s32 $0xFFFFFFFF  }
0x2d: {  	_ =	strace $0x9000004B  }
0x2e: {  	_ =	sfence  }
0x2f: {  	s30 =	sld [smem:$0x0];
	_ =	sdelay $0x2  }
0x30: {  	s31 =	sshll.u32 s1, $0xD;
	s1 =	sshrl.u32 s1, $0x2  }
0x31: {  	s3 =	sand.u32 $0x4000, s31;
	s1 =	sadd.s32 s1, s30  }
0x32: {  	s0 =	sor.u32 s3, s0;
	s1 =	sshll.u32 s1, $0x11  }
0x33: {  	s0 =	sor.u32 s1, s0  }
0x34: {  	s0 =	sadd.s32 $0x8F2B, s0  }
0x35: {  	[sflag:s0] =	ssyncadd.remote.s32 $0x1  }
0x36: {  	_ =	sfence.sel $0xFFFF  }
0x37: {  	[dreg:$0x0] =	wrdreg $0xFFFFFFFF;
	(pc) =	sbr.abs _section_cstart, $3  }
0x38: {  	[dreg:$0x1] =	wrdreg $0xFFFFFFFF  }
0x39: {  	_ =	task.clear_ibuf [dreg:s7], $0x2FFFF;
	_ =	strace $0x9FFFFFFF  }
0x3a: {  	(tm) =	ssettm $0x7FFFFFFF  }
0x3b: {  	_ =	shalt  }
tec
execute0_lowered:
.L_overlay_start_1:
0x0: {  	(tag) =	ssettag $0x1  }
0x1: {  	s0 =	srdreg.scid  }
0x2: {  	s1 =	sshll.u32 s0, $0x4  }
0x3: {  	s0 =	stileid.u32;
	s1 =	sand.u32 $0x10, s1  }
0x4: {  	s1 =	sor.u32 s0, s1  }
0x5: {  	s6 =	rddreg [dreg:$0x0];
	s4 =	simm.s32 $0x1;
	s2 =	sshll.u32 s1, $0x7  }
0x6: {  	s7 =	simm.s32 $0x2;
	s12 =	simm.s32 $0x0;
	s1 =	ssub.s32 $0x1000, s2  }
0x7: {  	s8 =	simm.s32 $0x8000;
	s13 =	simm.s32 $0x0;
	s3 =	sand.u32 $0xF80, s1  }
0x8: {  	s9 =	simm.s32 $0x0;
	s5 =	sshrl.u32 s1, $0xC;
	p0 =	sne.s32 s3, $0x0  }
.Ltmp0:
0x9: {  	s1 =	rddreg [dreg:$0x2];
	s4 =	simm.s32 @!p0 $0x0;
	(pc) =	sbr.rel .LBB1_1-.Ltmp0, $4  }
0xa: {  	s11 =	simm.s32 $0x0;
	s3 =	rddreg [dreg:$0x1];
	s5 =	sadd.s32 s4, s5  }
0xb: {  	_ =	strace $0x8000004A;
	s4 =	simm.s32 $0x1;
	s5 =	smul.u32 $0xC8, s5  }
0xc: {  	s6 =	sadd.s32 $0xA00, s6;
	s10 =	smov.u32 s2;
	[sflag:s4] =	ssyncpa.u1 $0x0  }
0xd: {  	p0 =	por $0x0, $0x0;
	[sflag:s7] =	ssyncpa.u1 $0x0;
	s7 =	sor.u32 $0x1, s5  }
.LBB1_4:
0xe: {  	s16 =	sshll.u32 s13, $0x3;
	s17 =	sand.u32 $0x78, s13  }
0xf: {  	s30 =	sand.u32 $0x7E00, s13;
	s12 =	sshll.u32 s12, $0xF;
	s16 =	sand.u32 $0xC00, s16  }
0x10: {  	[tilespmem:s15+$0x810 ss:$0x81] =	vst.msk $0xffff, v2;
	s31 =	sand.u32 $0x7, s13;
	s16 =	sor.u32 s17, s16;
	s17 =	sadd.s32 s3, s30  }
0x11: {  	[tilespmem:s15+$0x1020 ss:$0x81] =	vst.msk $0xffff, v0;
	s13 =	sshll.u32 s31, $0x12;
	s12 =	sadd.s32 s12, s17;
	s16 =	sshrl.u32 s16, $0x3  }
0x12: {  	[tilespmem:s15+$0x0 ss:$0x81] =	vst.msk $0xffff, v1;
	s13 =	sor.u32 $0x400, s13;
	s12 =	sadd.s32 s16, s12  }
0x13: {  	[hbm4b:s12+s13] =	stream.strided.scatter [tilespmem:s14], [sflag:$0x2], $0x2000, s8, s13, $0x20;
	[tilespmem:$0x8080] =	vst v63  }
.LBB1_5:
0x14: {  	s14 =	sadd.s32 $0x1, s9  }
0x15: {  	s12 =	sadd.s32 $0x1000, s10;
	s16 =	smov.u32 s10;
	p2 =	sgt.s32 s14, $0xC7  }
0x16: {  	s16 =	smov.u32 @p2 s12  }
0x17: {  	s14 =	simm.s32 @p2 $0x0;
	p2 =	sgt.s32 s16, $0xFFF  }
0x18: {  	s16 =	smov.u32 @p2 s2;
	p2 =	sne.s32 s11, s7  }
.Ltmp1:
0x19: {  	p1 =	slt.u32 s11, $0x2;
	(pc) =	sbr.rel @!p2 .LBB1_6-.Ltmp1, $4  }
0x1a: {  	s15 =	simm.s32 @!p1 $0x2  }
0x1b: {  	s13 =	smov.u32 s10;
	p0 =	por !p0, !p0;
	_ =	swait.ge @!p1 [sflag:s15], $0x2000  }
0x1c: {  	s12 =	smov.u32 s9;
	[sflag:s15] =	ssyncset.done @!p1 $0x0;
	s9 =	smov.u32 s14  }
0x1d: {  	s11 =	sadd.s32 $0x1, s11;
	[sflag:s15] =	ssyncadd.s32 @!p1 $0xFFFFE000;
	s10 =	smov.u32 s16  }
.LBB1_1:
0x1e: {  	p1 =	sge.u32 s11, s5  }
0x1f: {  	s14 =	sand.u32 @!p1 $0x1FFFFFF, s9  }
0x20: {  	s15 =	smulhi.u32 @!p1 $0x147AE15, s14;
	_ =	sdelay $0x1  }
0x21: {  	s15 =	smul.u32 @!p1 $0xC8, s15  }
0x22: {  	s16 =	sxor.u32 @!p1 $0xFFFFFFFF, s11;
	s17 =	smul.u32 @!p1 $0xC80, s10  }
0x23: {  	s31 =	sadd.s32 $0xFFFFFFFF, s11;
	s16 =	sshll.u32 @!p1 s16, $0xD;
	s14 =	ssub.s32 @!p1 s14, s15  }
0x24: {  	s15 =	sand.u32 @!p1 $0x2000, s16;
	s16 =	sadd.s32 @!p1 s6, s17;
	s14 =	sshll.u32 @!p1 s14, $0x4  }
0x25: {  	s17 =	simm.s32 @!p1 $0x6400;
	s14 =	sadd.s32 @!p1 s14, s16;
	s16 =	simm.s32 @!p1 $0x40  }
0x26: {  	[tilespmem:s15], [sflag:$0x1] =	stream.strided.gather @!p1 [hbm4b:s14+s16], $0x2000, s17, s16, $0x38;
	[tilespmem:$0x8080] =	vst v63  }
0x27: {  	p1 =	sge.u32 s31, s5  }
.Ltmp2:
0x28: {  	_ = 	snop;
	(pc) =	sbr.rel @p1 .LBB1_5-.Ltmp2, $1  }
0x29: {  	_ =	sdelay $0x3  }
0x2a: {  	s14 =	simm.s32 $0x1  }
0x2b: {  	_ =	swait.ge [sflag:s4], $0x2000;
	s14 =	simm.s32 @!p0 $0x0  }
0x2c: {  	[sflag:s4] =	ssyncset.done $0x0;
	s15 =	sshll.u32 s14, $0xD  }
0x2d: {  	[sflag:s4] =	ssyncadd.s32 $0xFFFFE000;
	s18 =	sor.u32 $0x20, s15  }
0x2e: {  	s14 =	smul.u32 $0x8100, s14;
	v3 =	vld [tilespmem:s18+$0x10]  }
0x2f: {  	s30 =	sand.u32 $0x1, s11;
	v2 =	vld [tilespmem:s18+$0xFFFFFFF0]  }
0x30: {  	s15 =	smul.u32 $0x8100, s30;
	s14 =	sshrl.u32 s14, $0x2;
	v0 =	vld [tilespmem:s18+$0x0]  }
0x31: {  	v1 =	vld [tilespmem:s18+$0xFFFFFFE0];
	s16 =	sor.u32 $0x4000, s14  }
0x32: {  	s31 =	sshrl.u32 s15, $0x2;
	s15 =	sadd.s32 $0x0, s16  }
0x33: {  	s17 =	simm.s32 $0x4;
	s18 =	sadd.s32 $0x40, s18;
	s14 =	sor.u32 $0x4000, s31;
	[tilespmem:s15+$0x1830 ss:$0x81] =	vst.msk $0xffff, v3  }
.LBB1_3:
0x34: {  	v3 =	vld [tilespmem:s18+$0x10];
	p1 =	sne.s32 s17, $0x1FC;
	[tilespmem:s15+$0x810 ss:$0x81] =	vst.msk $0xffff, v2;
	s19 =	smov.u32 s17;
	s17 =	sadd.s32 $0x4, s17  }
.Ltmp3:
0x35: {  	v2 =	vld [tilespmem:s18+$0xFFFFFFF0];
	[tilespmem:s15+$0x1020 ss:$0x81] =	vst.msk $0xffff, v0;
	(pc) =	sbr.rel @p1 .LBB1_3-.Ltmp3, $4  }
0x36: {  	v0 =	vld [tilespmem:s18+$0x0];
	[tilespmem:s15+$0x0 ss:$0x81] =	vst.msk $0xffff, v1  }
0x37: {  	s15 =	sshra.s32 s19, $0x2;
	v1 =	vld [tilespmem:s18+$0xFFFFFFE0]  }
0x38: {  	s15 =	sadd.s32 s15, s16  }
0x39: {  	s18 =	sadd.s32 $0x40, s18;
	[tilespmem:s15+$0x1830 ss:$0x81] =	vst.msk $0xffff, v3  }
.Ltmp4:
0x3a: {  	_ = 	snop;
	(pc) =	sbr.rel .LBB1_4-.Ltmp4, $1  }
0x3b: {  	_ =	sdelay $0x3  }
.LBB1_6:
0x3c: {  	_ =	sfence.sel $0x180000  }
0x3d: {  	s2 =	simm.s32 $0x1;
	[bflag:$0x0] =	sbarrier.arrive $0xFFFF  }
0x3e: {  	s31 =	simm.s32 $0x2;
	[sflag:s2] =	ssyncpa.u1 $0x1  }
0x3f: {  	[sflag:s31] =	ssyncpa.u1 $0x1  }
0x40: {  	p0 =	sne.s32 s0, $0x0;
	_ =	strace $0x9000004A  }
0x41: {  	s0 =	sadd.s32 @!p0 $0x100000, s1;
	[bflag:$0x2] =	sbarrier.arrive $0xFFFF  }
0x42: {  	[sflag:s0] =	ssyncadd.tile.s32 @!p0 $0x1;
	_ =	shalt  }
.Lfunc_end1:
_tile_overlayer_lowered:
.L_overlay_start_2:
0x43: {  	(tag) =	ssettag $0x2  }
0x44: {  	s0 =	rddreg [dreg:$0x0];
	s2 =	stileid.u32  }
0x45: {  	s1 =	rddreg [dreg:$0x1];
	p0 =	sne.s32 s2, $0x0  }
0x46: {  	s3 =	rddreg [dreg:$0x2];
	[bflag:$0x3] =	sbarrier.arrive $0xFFFF;
	s2 =	simm.s32 @!p0 $0x1C01  }
0x47: {  	[timem:s3], [sflag:s2] =	dma.local @!p0 [hbm:s0], s1  }
0x48: {  	s0 =	simm.s32 @!p0 $0x1  }
0x49: {  	_ =	swait.ge @!p0 [sflag:s0], s1  }
0x4a: {  	s1 =	ssub.s32 @!p0 $0x0, s1;
	[sflag:s0] =	ssyncset.done @!p0 $0x0  }
0x4b: {  	[sflag:s0] =	ssyncadd.s32 @!p0 s1  }
0x4c: {  	[bflag:$0x3] =	sbarrier.arrive $0xFFFF  }
0x4d: {  	_ =	shalt  }

</sc_bundles>
